<compile_context>
chip_gen: v7x
topology: tpu7x:2x2x1
jax: 0.10.2.dev20260603
libtpu: 0.0.44.dev20260713+nightly
codegen_flags: <defaults>
</compile_context>

<pallas_src>
import functools

import jax
import jax.numpy as jnp
from jax import lax
from jax.experimental import pallas as pl
from jax.experimental.pallas import tpu as pltpu
from jax.experimental.pallas import tpu_sc as plsc

NC = 2
NS = 16
NW = NC * NS
CH = 80
PACK = 14


def _sc_aggregate(support, src, dst, ew):
    N, D = support.shape
    E = src.shape[0]
    assert N <= (1 << PACK)
    unit = NW * CH * 2
    e_pad = -(-E // unit) * unit
    pad = e_pad - E
    if pad:
        src = jnp.pad(src, (0, pad))
        dst = jnp.pad(dst, (0, pad))
        ew = jnp.pad(ew, (0, pad))
    packed = src << PACK | dst
    epw = e_pad // NW
    nchunk = epw // CH
    nrounds = nchunk // 2
    assert N % NS == 0
    rows_per_tile = N // NS
    ZR = 125 if CH >= 125 else 25
    assert rows_per_tile % ZR == 0 and ZR <= CH
    nseg = D // 16

    mesh = plsc.VectorSubcoreMesh(core_axis_name="c", subcore_axis_name="s")

    @functools.partial(
        pl.kernel,
        mesh=mesh,
        out_type=jax.ShapeDtypeStruct((NC, N, D), jnp.float32),
        scratch_types=[
            pltpu.VMEM((epw,), jnp.int32),
            pltpu.VMEM((CH,), jnp.int32),
            pltpu.VMEM((CH,), jnp.int32),
            pltpu.VMEM((CH,), jnp.int32),
            pltpu.VMEM((CH,), jnp.int32),
            pltpu.VMEM((epw,), jnp.float32),
            pltpu.VMEM((CH, D), jnp.float32),
            pltpu.VMEM((CH, D), jnp.float32),
            pltpu.VMEM_SHARED((N, D), jnp.float32),
            pltpu.SemaphoreType.DMA,
            pltpu.SemaphoreType.DMA,
            pltpu.SemaphoreType.DMA,
            pltpu.SemaphoreType.DMA,
        ],
    )
    def body(support_hbm, packed_hbm, ew_hbm, out_hbm,
             pk_v, srcA, srcB, dstA, dstB, w_v, rowsA, rowsB, acc_sh,
             semA, semB, semSA, semSB):
        cid = lax.axis_index("c")
        sid = lax.axis_index("s")
        wid = sid * NC + cid
        base = wid * epw
        pltpu.sync_copy(ew_hbm.at[pl.ds(base, epw)], w_v)
        pltpu.sync_copy(packed_hbm.at[pl.ds(base, epw)], pk_v)

        zvec = jnp.zeros((16,), jnp.float32)

        def zero_row(i, carry):
            for p in range(nseg):
                rowsA[i, pl.ds(p * 16, 16)] = zvec
            return carry

        lax.fori_loop(0, ZR, zero_row, 0)
        for k in range(rows_per_tile // ZR):
            pltpu.sync_copy(
                rowsA.at[pl.ds(0, ZR)],
                acc_sh.at[pl.ds(sid * rows_per_tile + k * ZR, ZR)])

        def unpack(ci, src_ref, dst_ref):
            mask = jnp.full((16,), (1 << PACK) - 1, jnp.int32)

            def up(g, c2):
                pk = pk_v[pl.ds(ci * CH + g * 16, 16)]
                sl = pl.ds(g * 16, 16)
                seq = lax.iota(jnp.int32, 16) + (ci * CH + g * 16)
                src_ref[sl] = lax.bitwise_and(seq, jnp.full((16,), 8191, jnp.int32))
                dst_ref[sl] = lax.bitwise_and(pk, mask)
                return c2

            lax.fori_loop(0, CH // 16, up, 0)

        unpack(0, srcA, dstA)
        plsc.subcore_barrier()
        pltpu.async_copy(support_hbm.at[srcA], rowsA, semA)

        def scale(rows_ref, ci):
            def scale_group(g, c2):
                wvec = w_v[pl.ds(ci * CH + g * 16, 16)]
                for l in range(16):
                    w = wvec[l]
                    j = g * 16 + l
                    for p in range(nseg):
                        sl = pl.ds(p * 16, 16)
                        rows_ref[j, sl] = rows_ref[j, sl] * w
                return c2

            lax.fori_loop(0, CH // 16, scale_group, 0)

        def round_body(r, carry):
            i0 = 2 * r
            i1 = i0 + 1
            pltpu.make_async_copy(support_hbm.at[srcA], rowsA, semA).wait()
            unpack(i1, srcB, dstB)
            pltpu.async_copy(support_hbm.at[srcB], rowsB, semB)
            pltpu.make_async_copy(support_hbm.at[srcB], rowsB, semB).wait()

            @pl.when(r < nrounds - 1)
            def _():
                unpack(i0 + 2, srcA, dstA)
                pltpu.async_copy(support_hbm.at[srcA], rowsA, semA)

            return carry

        lax.fori_loop(0, nrounds, round_body, 0)
        plsc.subcore_barrier()

        main = (N // 8 // NS) * 8
        r0 = sid * main
        pltpu.sync_copy(acc_sh.at[pl.ds(r0, main)],
                        out_hbm.at[cid, pl.ds(r0, main)])
        rem = N - main * NS
        if rem:
            nrem = rem // 8

            @pl.when(sid < nrem)
            def _():
                rr = main * NS + sid * 8
                pltpu.sync_copy(acc_sh.at[pl.ds(rr, 8)],
                                out_hbm.at[cid, pl.ds(rr, 8)])

    return body(support, packed, ew)


def _tc_combine(partials, W):
    _, N, D = partials.shape
    DO = W.shape[1]
    BLK = 1000
    assert N % BLK == 0

    def body(p_ref, w_ref, o_ref):
        s = p_ref[0] + p_ref[1]
        o_ref[...] = jnp.dot(s, w_ref[...], preferred_element_type=jnp.float32)

    return pl.pallas_call(
        body,
        grid=(N // BLK,),
        in_specs=[
            pl.BlockSpec((2, BLK, D), lambda i: (0, i, 0)),
            pl.BlockSpec((D, DO), lambda i: (0, 0)),
        ],
        out_specs=pl.BlockSpec((BLK, DO), lambda i: (i, 0)),
        out_shape=jax.ShapeDtypeStruct((N, DO), jnp.float32),
    )(partials, W)


def kernel(support, edge_index, edge_weight, W):
    dst = edge_index[0].astype(jnp.int32)
    src = edge_index[1].astype(jnp.int32)
    partials = _sc_aggregate(support, src, dst, edge_weight)
    return _tc_combine(partials, W)

# --- scband reference (transcript-rebuilt; emitter-appended) ---
"""Pipeline reference for scband-graph-conv-layer-70669391888427 (READ-ONLY COPY).

The authoritative reference and input builder live on the scoring server;
editing this copy changes nothing except your own understanding.
"""

import jax, jax.numpy as jnp
import numpy as np

N_NODES = 10000
N_EDGES = 320000
D_IN = 128
D_OUT = 128


def setup_inputs(seed: int = 0) -> dict:
    key = jax.random.key(seed)
    k1, k2, k3, k4 = jax.random.split(key, 4)
    support = jax.random.normal(k1, (N_NODES, D_IN), dtype=jnp.float32)
    edge_index = jax.random.randint(k2, (2, N_EDGES), 0, N_NODES, dtype=jnp.int64)
    edge_weight = jax.random.uniform(k3, (N_EDGES,), dtype=jnp.float32)
    # learned parameter: weight [in_features, out_features], uniform(-stdv, stdv)
    stdv = 1.0 / np.sqrt(D_OUT)
    W = jax.random.uniform(k4, (D_IN, D_OUT), dtype=jnp.float32, minval=-stdv, maxval=stdv)
    return {"support": support, "edge_index": edge_index, "edge_weight": edge_weight, "W": W}


def reference(support, edge_index, edge_weight, W):
    # support = support @ weight
    h = jnp.dot(support, W)
    # x = sparse.mm(adj, support): adj given in COO form (edge_index rows=dst-src pairs)
    # adj[i, j] = edge_weight for edge (i <- j); row i of output = sum_j adj[i,j] * h[j]
    dst = edge_index[0]
    src = edge_index[1]
    gathered = edge_weight[:, None] * jnp.take(h, src, axis=0)
    out = jax.ops.segment_sum(gathered, dst, num_segments=N_NODES)
    # bias=False -> return x directly
    return out

if __name__ == "__main__":
    import jax
    _d = setup_inputs()
    print(jax.jit(kernel)(*tuple(_d.values())))

</pallas_src>

<mosaic_0001>
#map = affine_map<(d0, d1) -> (0, 0)>
#map1 = affine_map<(d0, d1) -> (0)>
#map2 = affine_map<(d0, d1) -> (0, 0, 0)>
module attributes {stable_mosaic.version = 14 : i64} {
  func.func @body(%arg0: i32, %arg1: i32, %arg2: memref<10000x128xf32, #tpu.memory_space<hbm>>, %arg3: memref<322560xi32, #tpu.memory_space<hbm>>, %arg4: memref<322560xf32, #tpu.memory_space<hbm>>, %arg5: memref<2x10000x128xf32, #tpu.memory_space<hbm>>, %arg6: memref<10080xi32, #tpu.memory_space<vmem>>, %arg7: memref<80xi32, #tpu.memory_space<vmem>>, %arg8: memref<80xi32, #tpu.memory_space<vmem>>, %arg9: memref<80xi32, #tpu.memory_space<vmem>>, %arg10: memref<80xi32, #tpu.memory_space<vmem>>, %arg11: memref<10080xf32, #tpu.memory_space<vmem>>, %arg12: memref<80x128xf32, #tpu.memory_space<vmem>>, %arg13: memref<80x128xf32, #tpu.memory_space<vmem>>, %arg14: memref<10000x128xf32, #tpu.memory_space<vmem_shared>>, %arg15: memref<!tpu.dma_semaphore, #tpu.memory_space<semaphore_mem>>, %arg16: memref<!tpu.dma_semaphore, #tpu.memory_space<semaphore_mem>>, %arg17: memref<!tpu.dma_semaphore, #tpu.memory_space<semaphore_mem>>, %arg18: memref<!tpu.dma_semaphore, #tpu.memory_space<semaphore_mem>>) attributes {dimension_semantics = [#tpu.dimension_semantics<core_parallel>, #tpu.dimension_semantics<subcore_parallel>], iteration_bounds = array<i64: 2, 16>, scalar_prefetch = 0 : i64, scratch_operands = 13 : i64, tpu.core_type = #tpu.core_type<sc_vector_subcore>, window_params = [{transform_indices = #map}, {transform_indices = #map1}, {transform_indices = #map1}, {transform_indices = #map2}]} {
    %mul3A = arith.constant 2 : i32
    %mul3A_0 = arith.muli %arg1, %mul3A : i32
    %add3A = arith.addi %mul3A_0, %arg0 : i32
    %mul3A_1 = arith.constant 10080 : i32
    %mul3A_2 = arith.muli %add3A, %mul3A_1 : i32
    "tpu.region"() ({
      %run_scoped3A = tpu.sem_alloc : memref<!tpu.dma_semaphore, #tpu.memory_space<semaphore_mem>>
      %dma_start3A_130 = tpu.memref_slice %arg4[%mul3A_2] : memref<322560xf32, #tpu.memory_space<hbm>> -> memref<10080xf32, #tpu.memory_space<hbm>>
      %dma_start3A_131 = tpu.memref_slice %arg4[%mul3A_2] : memref<322560xf32, #tpu.memory_space<hbm>> -> memref<10080xf32, #tpu.memory_space<hbm>>
      tpu.enqueue_dma source(%dma_start3A_131 : memref<10080xf32, #tpu.memory_space<hbm>>) target(%arg11 : memref<10080xf32, #tpu.memory_space<vmem>>) target_semaphore(%run_scoped3A : memref<!tpu.dma_semaphore, #tpu.memory_space<semaphore_mem>>)
      %dma_wait3A = tpu.memref_slice %arg4[%mul3A_2] : memref<322560xf32, #tpu.memory_space<hbm>> -> memref<10080xf32, #tpu.memory_space<hbm>>
      %dma_wait3A_132 = tpu.memref_slice %arg4[%mul3A_2] : memref<322560xf32, #tpu.memory_space<hbm>> -> memref<10080xf32, #tpu.memory_space<hbm>>
      tpu.wait_dma2 semaphore(%run_scoped3A : memref<!tpu.dma_semaphore, #tpu.memory_space<semaphore_mem>>) src(%dma_wait3A_132 : memref<10080xf32, #tpu.memory_space<hbm>>) dst(%arg11 : memref<10080xf32, #tpu.memory_space<vmem>>)
      tpu.yield
    }) : () -> ()
    "tpu.region"() ({
      %run_scoped3A = tpu.sem_alloc : memref<!tpu.dma_semaphore, #tpu.memory_space<semaphore_mem>>
      %dma_start3A_130 = tpu.memref_slice %arg3[%mul3A_2] : memref<322560xi32, #tpu.memory_space<hbm>> -> memref<10080xi32, #tpu.memory_space<hbm>>
      %dma_start3A_131 = tpu.memref_slice %arg3[%mul3A_2] : memref<322560xi32, #tpu.memory_space<hbm>> -> memref<10080xi32, #tpu.memory_space<hbm>>
      tpu.enqueue_dma source(%dma_start3A_131 : memref<10080xi32, #tpu.memory_space<hbm>>) target(%arg6 : memref<10080xi32, #tpu.memory_space<vmem>>) target_semaphore(%run_scoped3A : memref<!tpu.dma_semaphore, #tpu.memory_space<semaphore_mem>>)
      %dma_wait3A = tpu.memref_slice %arg3[%mul3A_2] : memref<322560xi32, #tpu.memory_space<hbm>> -> memref<10080xi32, #tpu.memory_space<hbm>>
      %dma_wait3A_132 = tpu.memref_slice %arg3[%mul3A_2] : memref<322560xi32, #tpu.memory_space<hbm>> -> memref<10080xi32, #tpu.memory_space<hbm>>
      tpu.wait_dma2 semaphore(%run_scoped3A : memref<!tpu.dma_semaphore, #tpu.memory_space<semaphore_mem>>) src(%dma_wait3A_132 : memref<10080xi32, #tpu.memory_space<hbm>>) dst(%arg6 : memref<10080xi32, #tpu.memory_space<vmem>>)
      tpu.yield
    }) : () -> ()
    %broadcast_in_dim3A = arith.constant 0.000000e+00 : f32
    %broadcast_in_dim3A_3 = vector.broadcast %broadcast_in_dim3A : f32 to vector<16xf32>
    %scan3A = arith.constant 0 : i32
    %scan3A_4 = arith.constant 0 : i32
    %scan3A_5 = arith.constant 25 : i32
    %scan3A_6 = arith.addi %scan3A_4, %scan3A_5 : i32
    %scan3A_7 = arith.constant 1 : i32
    scf.for %scan3A_130 = %scan3A_4 to %scan3A_6 step %scan3A_7  : i32 {
      %swap3A = arith.index_cast %scan3A_130 : i32 to index
      %swap3A_131 = arith.constant 0 : index
      %swap3A_132 = tpu.vector_load %arg12[%swap3A, %swap3A_131] {strides = array<i32>} : memref<80x128xf32, #tpu.memory_space<vmem>>, vector<1x16xf32>,
      %swap3A_133 = vector.shape_cast %swap3A_132 : vector<1x16xf32> to vector<16xf32>
      %swap3A_134 = vector.shape_cast %broadcast_in_dim3A_3 : vector<16xf32> to vector<1x16xf32>
      tpu.vector_store %arg12[%swap3A, %swap3A_131], %swap3A_134 {strides = array<i32>} : memref<80x128xf32, #tpu.memory_space<vmem>>, vector<1x16xf32>,
      %swap3A_135 = arith.index_cast %scan3A_130 : i32 to index
      %swap3A_136 = arith.constant 16 : index
      %swap3A_137 = tpu.vector_load %arg12[%swap3A_135, %swap3A_136] {strides = array<i32>} : memref<80x128xf32, #tpu.memory_space<vmem>>, vector<1x16xf32>,
      %swap3A_138 = vector.shape_cast %swap3A_137 : vector<1x16xf32> to vector<16xf32>
      %swap3A_139 = vector.shape_cast %broadcast_in_dim3A_3 : vector<16xf32> to vector<1x16xf32>
      tpu.vector_store %arg12[%swap3A_135, %swap3A_136], %swap3A_139 {strides = array<i32>} : memref<80x128xf32, #tpu.memory_space<vmem>>, vector<1x16xf32>,
      %swap3A_140 = arith.index_cast %scan3A_130 : i32 to index
      %swap3A_141 = arith.constant 32 : index
      %swap3A_142 = tpu.vector_load %arg12[%swap3A_140, %swap3A_141] {strides = array<i32>} : memref<80x128xf32, #tpu.memory_space<vmem>>, vector<1x16xf32>,
      %swap3A_143 = vector.shape_cast %swap3A_142 : vector<1x16xf32> to vector<16xf32>
      %swap3A_144 = vector.shape_cast %broadcast_in_dim3A_3 : vector<16xf32> to vector<1x16xf32>
      tpu.vector_store %arg12[%swap3A_140, %swap3A_141], %swap3A_144 {strides = array<i32>} : memref<80x128xf32, #tpu.memory_space<vmem>>, vector<1x16xf32>,
      %swap3A_145 = arith.index_cast %scan3A_130 : i32 to index
      %swap3A_146 = arith.constant 48 : index
      %swap3A_147 = tpu.vector_load %arg12[%swap3A_145, %swap3A_146] {strides = array<i32>} : memref<80x128xf32, #tpu.memory_space<vmem>>, vector<1x16xf32>,
      %swap3A_148 = vector.shape_cast %swap3A_147 : vector<1x16xf32> to vector<16xf32>
      %swap3A_149 = vector.shape_cast %broadcast_in_dim3A_3 : vector<16xf32> to vector<1x16xf32>
      tpu.vector_store %arg12[%swap3A_145, %swap3A_146], %swap3A_149 {strides = array<i32>} : memref<80x128xf32, #tpu.memory_space<vmem>>, vector<1x16xf32>,
      %swap3A_150 = arith.index_cast %scan3A_130 : i32 to index
      %swap3A_151 = arith.constant 64 : index
      %swap3A_152 = tpu.vector_load %arg12[%swap3A_150, %swap3A_151] {strides = array<i32>} : memref<80x128xf32, #tpu.memory_space<vmem>>, vector<1x16xf32>,
      %swap3A_153 = vector.shape_cast %swap3A_152 : vector<1x16xf32> to vector<16xf32>
      %swap3A_154 = vector.shape_cast %broadcast_in_dim3A_3 : vector<16xf32> to vector<1x16xf32>
      tpu.vector_store %arg12[%swap3A_150, %swap3A_151], %swap3A_154 {strides = array<i32>} : memref<80x128xf32, #tpu.memory_space<vmem>>, vector<1x16xf32>,
      %swap3A_155 = arith.index_cast %scan3A_130 : i32 to index
      %swap3A_156 = arith.constant 80 : index
      %swap3A_157 = tpu.vector_load %arg12[%swap3A_155, %swap3A_156] {strides = array<i32>} : memref<80x128xf32, #tpu.memory_space<vmem>>, vector<1x16xf32>,
      %swap3A_158 = vector.shape_cast %swap3A_157 : vector<1x16xf32> to vector<16xf32>
      %swap3A_159 = vector.shape_cast %broadcast_in_dim3A_3 : vector<16xf32> to vector<1x16xf32>
      tpu.vector_store %arg12[%swap3A_155, %swap3A_156], %swap3A_159 {strides = array<i32>} : memref<80x128xf32, #tpu.memory_space<vmem>>, vector<1x16xf32>,
      %swap3A_160 = arith.index_cast %scan3A_130 : i32 to index
      %swap3A_161 = arith.constant 96 : index
      %swap3A_162 = tpu.vector_load %arg12[%swap3A_160, %swap3A_161] {strides = array<i32>} : memref<80x128xf32, #tpu.memory_space<vmem>>, vector<1x16xf32>,
      %swap3A_163 = vector.shape_cast %swap3A_162 : vector<1x16xf32> to vector<16xf32>
      %swap3A_164 = vector.shape_cast %broadcast_in_dim3A_3 : vector<16xf32> to vector<1x16xf32>
      tpu.vector_store %arg12[%swap3A_160, %swap3A_161], %swap3A_164 {strides = array<i32>} : memref<80x128xf32, #tpu.memory_space<vmem>>, vector<1x16xf32>,
      %swap3A_165 = arith.index_cast %scan3A_130 : i32 to index
      %swap3A_166 = arith.constant 112 : index
      %swap3A_167 = tpu.vector_load %arg12[%swap3A_165, %swap3A_166] {strides = array<i32>} : memref<80x128xf32, #tpu.memory_space<vmem>>, vector<1x16xf32>,
      %swap3A_168 = vector.shape_cast %swap3A_167 : vector<1x16xf32> to vector<16xf32>
      %swap3A_169 = vector.shape_cast %broadcast_in_dim3A_3 : vector<16xf32> to vector<1x16xf32>
      tpu.vector_store %arg12[%swap3A_165, %swap3A_166], %swap3A_169 {strides = array<i32>} : memref<80x128xf32, #tpu.memory_space<vmem>>, vector<1x16xf32>,
    }
    %scan3A_8 = arith.constant 25 : i32
    %mul3A_9 = arith.constant 625 : i32
    %mul3A_10 = arith.muli %arg1, %mul3A_9 : i32
    %add3A_11 = arith.constant 0 : i32
    %add3A_12 = arith.addi %mul3A_10, %add3A_11 : i32
    "tpu.region"() ({
      %run_scoped3A = tpu.sem_alloc : memref<!tpu.dma_semaphore, #tpu.memory_space<semaphore_mem>>
      %dma_start3A_130 = arith.constant 0 : i32
      %dma_start3A_131 = arith.constant 0 : i32
      %dma_start3A_132 = tpu.memref_slice %arg12[%dma_start3A_130, %dma_start3A_131] : memref<80x128xf32, #tpu.memory_space<vmem>> -> memref<25x128xf32, #tpu.memory_space<vmem>>
      %dma_start3A_133 = arith.constant 0 : i32
      %dma_start3A_134 = tpu.memref_slice %arg14[%add3A_12, %dma_start3A_133] : memref<10000x128xf32, #tpu.memory_space<vmem_shared>> -> memref<25x128xf32, #tpu.memory_space<vmem_shared>>
      %dma_start3A_135 = arith.constant 0 : i32
      %dma_start3A_136 = tpu.memref_slice %arg14[%add3A_12, %dma_start3A_135] : memref<10000x128xf32, #tpu.memory_space<vmem_shared>> -> memref<25x128xf32, #tpu.memory_space<vmem_shared>>
      %dma_start3A_137 = arith.constant 0 : i32
      %dma_start3A_138 = arith.constant 0 : i32
      %dma_start3A_139 = tpu.memref_slice %arg12[%dma_start3A_137, %dma_start3A_138] : memref<80x128xf32, #tpu.memory_space<vmem>> -> memref<25x128xf32, #tpu.memory_space<vmem>>
      tpu.enqueue_dma source(%dma_start3A_139 : memref<25x128xf32, #tpu.memory_space<vmem>>) target(%dma_start3A_136 : memref<25x128xf32, #tpu.memory_space<vmem_shared>>) target_semaphore(%run_scoped3A : memref<!tpu.dma_semaphore, #tpu.memory_space<semaphore_mem>>)
      %dma_wait3A = arith.constant 0 : i32
      %dma_wait3A_140 = arith.constant 0 : i32
      %dma_wait3A_141 = tpu.memref_slice %arg12[%dma_wait3A, %dma_wait3A_140] : memref<80x128xf32, #tpu.memory_space<vmem>> -> memref<25x128xf32, #tpu.memory_space<vmem>>
      %dma_wait3A_142 = arith.constant 0 : i32
      %dma_wait3A_143 = tpu.memref_slice %arg14[%add3A_12, %dma_wait3A_142] : memref<10000x128xf32, #tpu.memory_space<vmem_shared>> -> memref<25x128xf32, #tpu.memory_space<vmem_shared>>
      %dma_wait3A_144 = arith.constant 0 : i32
      %dma_wait3A_145 = tpu.memref_slice %arg14[%add3A_12, %dma_wait3A_144] : memref<10000x128xf32, #tpu.memory_space<vmem_shared>> -> memref<25x128xf32, #tpu.memory_space<vmem_shared>>
      %dma_wait3A_146 = arith.constant 0 : i32
      %dma_wait3A_147 = arith.constant 0 : i32
      %dma_wait3A_148 = tpu.memref_slice %arg12[%dma_wait3A_146, %dma_wait3A_147] : memref<80x128xf32, #tpu.memory_space<vmem>> -> memref<25x128xf32, #tpu.memory_space<vmem>>
      tpu.wait_dma2 semaphore(%run_scoped3A : memref<!tpu.dma_semaphore, #tpu.memory_space<semaphore_mem>>) src(%dma_wait3A_148 : memref<25x128xf32, #tpu.memory_space<vmem>>) dst(%dma_wait3A_145 : memref<25x128xf32, #tpu.memory_space<vmem_shared>>)
      tpu.yield
    }) : () -> ()
    %mul3A_13 = arith.constant 625 : i32
    %mul3A_14 = arith.muli %arg1, %mul3A_13 : i32
    %add3A_15 = arith.constant 25 : i32
    %add3A_16 = arith.addi %mul3A_14, %add3A_15 : i32
    "tpu.region"() ({
      %run_scoped3A = tpu.sem_alloc : memref<!tpu.dma_semaphore, #tpu.memory_space<semaphore_mem>>
      %dma_start3A_130 = arith.constant 0 : i32
      %dma_start3A_131 = arith.constant 0 : i32
      %dma_start3A_132 = tpu.memref_slice %arg12[%dma_start3A_130, %dma_start3A_131] : memref<80x128xf32, #tpu.memory_space<vmem>> -> memref<25x128xf32, #tpu.memory_space<vmem>>
      %dma_start3A_133 = arith.constant 0 : i32
      %dma_start3A_134 = tpu.memref_slice %arg14[%add3A_16, %dma_start3A_133] : memref<10000x128xf32, #tpu.memory_space<vmem_shared>> -> memref<25x128xf32, #tpu.memory_space<vmem_shared>>
      %dma_start3A_135 = arith.constant 0 : i32
      %dma_start3A_136 = tpu.memref_slice %arg14[%add3A_16, %dma_start3A_135] : memref<10000x128xf32, #tpu.memory_space<vmem_shared>> -> memref<25x128xf32, #tpu.memory_space<vmem_shared>>
      %dma_start3A_137 = arith.constant 0 : i32
      %dma_start3A_138 = arith.constant 0 : i32
      %dma_start3A_139 = tpu.memref_slice %arg12[%dma_start3A_137, %dma_start3A_138] : memref<80x128xf32, #tpu.memory_space<vmem>> -> memref<25x128xf32, #tpu.memory_space<vmem>>
      tpu.enqueue_dma source(%dma_start3A_139 : memref<25x128xf32, #tpu.memory_space<vmem>>) target(%dma_start3A_136 : memref<25x128xf32, #tpu.memory_space<vmem_shared>>) target_semaphore(%run_scoped3A : memref<!tpu.dma_semaphore, #tpu.memory_space<semaphore_mem>>)
      %dma_wait3A = arith.constant 0 : i32
      %dma_wait3A_140 = arith.constant 0 : i32
      %dma_wait3A_141 = tpu.memref_slice %arg12[%dma_wait3A, %dma_wait3A_140] : memref<80x128xf32, #tpu.memory_space<vmem>> -> memref<25x128xf32, #tpu.memory_space<vmem>>
      %dma_wait3A_142 = arith.constant 0 : i32
      %dma_wait3A_143 = tpu.memref_slice %arg14[%add3A_16, %dma_wait3A_142] : memref<10000x128xf32, #tpu.memory_space<vmem_shared>> -> memref<25x128xf32, #tpu.memory_space<vmem_shared>>
      %dma_wait3A_144 = arith.constant 0 : i32
      %dma_wait3A_145 = tpu.memref_slice %arg14[%add3A_16, %dma_wait3A_144] : memref<10000x128xf32, #tpu.memory_space<vmem_shared>> -> memref<25x128xf32, #tpu.memory_space<vmem_shared>>
      %dma_wait3A_146 = arith.constant 0 : i32
      %dma_wait3A_147 = arith.constant 0 : i32
      %dma_wait3A_148 = tpu.memref_slice %arg12[%dma_wait3A_146, %dma_wait3A_147] : memref<80x128xf32, #tpu.memory_space<vmem>> -> memref<25x128xf32, #tpu.memory_space<vmem>>
      tpu.wait_dma2 semaphore(%run_scoped3A : memref<!tpu.dma_semaphore, #tpu.memory_space<semaphore_mem>>) src(%dma_wait3A_148 : memref<25x128xf32, #tpu.memory_space<vmem>>) dst(%dma_wait3A_145 : memref<25x128xf32, #tpu.memory_space<vmem_shared>>)
      tpu.yield
    }) : () -> ()
    %mul3A_17 = arith.constant 625 : i32
    %mul3A_18 = arith.muli %arg1, %mul3A_17 : i32
    %add3A_19 = arith.constant 50 : i32
    %add3A_20 = arith.addi %mul3A_18, %add3A_19 : i32
    "tpu.region"() ({
      %run_scoped3A = tpu.sem_alloc : memref<!tpu.dma_semaphore, #tpu.memory_space<semaphore_mem>>
      %dma_start3A_130 = arith.constant 0 : i32
      %dma_start3A_131 = arith.constant 0 : i32
      %dma_start3A_132 = tpu.memref_slice %arg12[%dma_start3A_130, %dma_start3A_131] : memref<80x128xf32, #tpu.memory_space<vmem>> -> memref<25x128xf32, #tpu.memory_space<vmem>>
      %dma_start3A_133 = arith.constant 0 : i32
      %dma_start3A_134 = tpu.memref_slice %arg14[%add3A_20, %dma_start3A_133] : memref<10000x128xf32, #tpu.memory_space<vmem_shared>> -> memref<25x128xf32, #tpu.memory_space<vmem_shared>>
      %dma_start3A_135 = arith.constant 0 : i32
      %dma_start3A_136 = tpu.memref_slice %arg14[%add3A_20, %dma_start3A_135] : memref<10000x128xf32, #tpu.memory_space<vmem_shared>> -> memref<25x128xf32, #tpu.memory_space<vmem_shared>>
      %dma_start3A_137 = arith.constant 0 : i32
      %dma_start3A_138 = arith.constant 0 : i32
      %dma_start3A_139 = tpu.memref_slice %arg12[%dma_start3A_137, %dma_start3A_138] : memref<80x128xf32, #tpu.memory_space<vmem>> -> memref<25x128xf32, #tpu.memory_space<vmem>>
      tpu.enqueue_dma source(%dma_start3A_139 : memref<25x128xf32, #tpu.memory_space<vmem>>) target(%dma_start3A_136 : memref<25x128xf32, #tpu.memory_space<vmem_shared>>) target_semaphore(%run_scoped3A : memref<!tpu.dma_semaphore, #tpu.memory_space<semaphore_mem>>)
      %dma_wait3A = arith.constant 0 : i32
      %dma_wait3A_140 = arith.constant 0 : i32
      %dma_wait3A_141 = tpu.memref_slice %arg12[%dma_wait3A, %dma_wait3A_140] : memref<80x128xf32, #tpu.memory_space<vmem>> -> memref<25x128xf32, #tpu.memory_space<vmem>>
      %dma_wait3A_142 = arith.constant 0 : i32
      %dma_wait3A_143 = tpu.memref_slice %arg14[%add3A_20, %dma_wait3A_142] : memref<10000x128xf32, #tpu.memory_space<vmem_shared>> -> memref<25x128xf32, #tpu.memory_space<vmem_shared>>
      %dma_wait3A_144 = arith.constant 0 : i32
      %dma_wait3A_145 = tpu.memref_slice %arg14[%add3A_20, %dma_wait3A_144] : memref<10000x128xf32, #tpu.memory_space<vmem_shared>> -> memref<25x128xf32, #tpu.memory_space<vmem_shared>>
      %dma_wait3A_146 = arith.constant 0 : i32
      %dma_wait3A_147 = arith.constant 0 : i32
      %dma_wait3A_148 = tpu.memref_slice %arg12[%dma_wait3A_146, %dma_wait3A_147] : memref<80x128xf32, #tpu.memory_space<vmem>> -> memref<25x128xf32, #tpu.memory_space<vmem>>
      tpu.wait_dma2 semaphore(%run_scoped3A : memref<!tpu.dma_semaphore, #tpu.memory_space<semaphore_mem>>) src(%dma_wait3A_148 : memref<25x128xf32, #tpu.memory_space<vmem>>) dst(%dma_wait3A_145 : memref<25x128xf32, #tpu.memory_space<vmem_shared>>)
      tpu.yield
    }) : () -> ()
    %mul3A_21 = arith.constant 625 : i32
    %mul3A_22 = arith.muli %arg1, %mul3A_21 : i32
    %add3A_23 = arith.constant 75 : i32
    %add3A_24 = arith.addi %mul3A_22, %add3A_23 : i32
    "tpu.region"() ({
      %run_scoped3A = tpu.sem_alloc : memref<!tpu.dma_semaphore, #tpu.memory_space<semaphore_mem>>
      %dma_start3A_130 = arith.constant 0 : i32
      %dma_start3A_131 = arith.constant 0 : i32
      %dma_start3A_132 = tpu.memref_slice %arg12[%dma_start3A_130, %dma_start3A_131] : memref<80x128xf32, #tpu.memory_space<vmem>> -> memref<25x128xf32, #tpu.memory_space<vmem>>
      %dma_start3A_133 = arith.constant 0 : i32
      %dma_start3A_134 = tpu.memref_slice %arg14[%add3A_24, %dma_start3A_133] : memref<10000x128xf32, #tpu.memory_space<vmem_shared>> -> memref<25x128xf32, #tpu.memory_space<vmem_shared>>
      %dma_start3A_135 = arith.constant 0 : i32
      %dma_start3A_136 = tpu.memref_slice %arg14[%add3A_24, %dma_start3A_135] : memref<10000x128xf32, #tpu.memory_space<vmem_shared>> -> memref<25x128xf32, #tpu.memory_space<vmem_shared>>
      %dma_start3A_137 = arith.constant 0 : i32
      %dma_start3A_138 = arith.constant 0 : i32
      %dma_start3A_139 = tpu.memref_slice %arg12[%dma_start3A_137, %dma_start3A_138] : memref<80x128xf32, #tpu.memory_space<vmem>> -> memref<25x128xf32, #tpu.memory_space<vmem>>
      tpu.enqueue_dma source(%dma_start3A_139 : memref<25x128xf32, #tpu.memory_space<vmem>>) target(%dma_start3A_136 : memref<25x128xf32, #tpu.memory_space<vmem_shared>>) target_semaphore(%run_scoped3A : memref<!tpu.dma_semaphore, #tpu.memory_space<semaphore_mem>>)
      %dma_wait3A = arith.constant 0 : i32
      %dma_wait3A_140 = arith.constant 0 : i32
      %dma_wait3A_141 = tpu.memref_slice %arg12[%dma_wait3A, %dma_wait3A_140] : memref<80x128xf32, #tpu.memory_space<vmem>> -> memref<25x128xf32, #tpu.memory_space<vmem>>
      %dma_wait3A_142 = arith.constant 0 : i32
      %dma_wait3A_143 = tpu.memref_slice %arg14[%add3A_24, %dma_wait3A_142] : memref<10000x128xf32, #tpu.memory_space<vmem_shared>> -> memref<25x128xf32, #tpu.memory_space<vmem_shared>>
      %dma_wait3A_144 = arith.constant 0 : i32
      %dma_wait3A_145 = tpu.memref_slice %arg14[%add3A_24, %dma_wait3A_144] : memref<10000x128xf32, #tpu.memory_space<vmem_shared>> -> memref<25x128xf32, #tpu.memory_space<vmem_shared>>
      %dma_wait3A_146 = arith.constant 0 : i32
      %dma_wait3A_147 = arith.constant 0 : i32
      %dma_wait3A_148 = tpu.memref_slice %arg12[%dma_wait3A_146, %dma_wait3A_147] : memref<80x128xf32, #tpu.memory_space<vmem>> -> memref<25x128xf32, #tpu.memory_space<vmem>>
      tpu.wait_dma2 semaphore(%run_scoped3A : memref<!tpu.dma_semaphore, #tpu.memory_space<semaphore_mem>>) src(%dma_wait3A_148 : memref<25x128xf32, #tpu.memory_space<vmem>>) dst(%dma_wait3A_145 : memref<25x128xf32, #tpu.memory_space<vmem_shared>>)
      tpu.yield
    }) : () -> ()
    %mul3A_25 = arith.constant 625 : i32
    %mul3A_26 = arith.muli %arg1, %mul3A_25 : i32
    %add3A_27 = arith.constant 100 : i32
    %add3A_28 = arith.addi %mul3A_26, %add3A_27 : i32
    "tpu.region"() ({
      %run_scoped3A = tpu.sem_alloc : memref<!tpu.dma_semaphore, #tpu.memory_space<semaphore_mem>>
      %dma_start3A_130 = arith.constant 0 : i32
      %dma_start3A_131 = arith.constant 0 : i32
      %dma_start3A_132 = tpu.memref_slice %arg12[%dma_start3A_130, %dma_start3A_131] : memref<80x128xf32, #tpu.memory_space<vmem>> -> memref<25x128xf32, #tpu.memory_space<vmem>>
      %dma_start3A_133 = arith.constant 0 : i32
      %dma_start3A_134 = tpu.memref_slice %arg14[%add3A_28, %dma_start3A_133] : memref<10000x128xf32, #tpu.memory_space<vmem_shared>> -> memref<25x128xf32, #tpu.memory_space<vmem_shared>>
      %dma_start3A_135 = arith.constant 0 : i32
      %dma_start3A_136 = tpu.memref_slice %arg14[%add3A_28, %dma_start3A_135] : memref<10000x128xf32, #tpu.memory_space<vmem_shared>> -> memref<25x128xf32, #tpu.memory_space<vmem_shared>>
      %dma_start3A_137 = arith.constant 0 : i32
      %dma_start3A_138 = arith.constant 0 : i32
      %dma_start3A_139 = tpu.memref_slice %arg12[%dma_start3A_137, %dma_start3A_138] : memref<80x128xf32, #tpu.memory_space<vmem>> -> memref<25x128xf32, #tpu.memory_space<vmem>>
      tpu.enqueue_dma source(%dma_start3A_139 : memref<25x128xf32, #tpu.memory_space<vmem>>) target(%dma_start3A_136 : memref<25x128xf32, #tpu.memory_space<vmem_shared>>) target_semaphore(%run_scoped3A : memref<!tpu.dma_semaphore, #tpu.memory_space<semaphore_mem>>)
      %dma_wait3A = arith.constant 0 : i32
      %dma_wait3A_140 = arith.constant 0 : i32
      %dma_wait3A_141 = tpu.memref_slice %arg12[%dma_wait3A, %dma_wait3A_140] : memref<80x128xf32, #tpu.memory_space<vmem>> -> memref<25x128xf32, #tpu.memory_space<vmem>>
      %dma_wait3A_142 = arith.constant 0 : i32
      %dma_wait3A_143 = tpu.memref_slice %arg14[%add3A_28, %dma_wait3A_142] : memref<10000x128xf32, #tpu.memory_space<vmem_shared>> -> memref<25x128xf32, #tpu.memory_space<vmem_shared>>
      %dma_wait3A_144 = arith.constant 0 : i32
      %dma_wait3A_145 = tpu.memref_slice %arg14[%add3A_28, %dma_wait3A_144] : memref<10000x128xf32, #tpu.memory_space<vmem_shared>> -> memref<25x128xf32, #tpu.memory_space<vmem_shared>>
      %dma_wait3A_146 = arith.constant 0 : i32
      %dma_wait3A_147 = arith.constant 0 : i32
      %dma_wait3A_148 = tpu.memref_slice %arg12[%dma_wait3A_146, %dma_wait3A_147] : memref<80x128xf32, #tpu.memory_space<vmem>> -> memref<25x128xf32, #tpu.memory_space<vmem>>
      tpu.wait_dma2 semaphore(%run_scoped3A : memref<!tpu.dma_semaphore, #tpu.memory_space<semaphore_mem>>) src(%dma_wait3A_148 : memref<25x128xf32, #tpu.memory_space<vmem>>) dst(%dma_wait3A_145 : memref<25x128xf32, #tpu.memory_space<vmem_shared>>)
      tpu.yield
    }) : () -> ()
    %mul3A_29 = arith.constant 625 : i32
    %mul3A_30 = arith.muli %arg1, %mul3A_29 : i32
    %add3A_31 = arith.constant 125 : i32
    %add3A_32 = arith.addi %mul3A_30, %add3A_31 : i32
    "tpu.region"() ({
      %run_scoped3A = tpu.sem_alloc : memref<!tpu.dma_semaphore, #tpu.memory_space<semaphore_mem>>
      %dma_start3A_130 = arith.constant 0 : i32
      %dma_start3A_131 = arith.constant 0 : i32
      %dma_start3A_132 = tpu.memref_slice %arg12[%dma_start3A_130, %dma_start3A_131] : memref<80x128xf32, #tpu.memory_space<vmem>> -> memref<25x128xf32, #tpu.memory_space<vmem>>
      %dma_start3A_133 = arith.constant 0 : i32
      %dma_start3A_134 = tpu.memref_slice %arg14[%add3A_32, %dma_start3A_133] : memref<10000x128xf32, #tpu.memory_space<vmem_shared>> -> memref<25x128xf32, #tpu.memory_space<vmem_shared>>
      %dma_start3A_135 = arith.constant 0 : i32
      %dma_start3A_136 = tpu.memref_slice %arg14[%add3A_32, %dma_start3A_135] : memref<10000x128xf32, #tpu.memory_space<vmem_shared>> -> memref<25x128xf32, #tpu.memory_space<vmem_shared>>
      %dma_start3A_137 = arith.constant 0 : i32
      %dma_start3A_138 = arith.constant 0 : i32
      %dma_start3A_139 = tpu.memref_slice %arg12[%dma_start3A_137, %dma_start3A_138] : memref<80x128xf32, #tpu.memory_space<vmem>> -> memref<25x128xf32, #tpu.memory_space<vmem>>
      tpu.enqueue_dma source(%dma_start3A_139 : memref<25x128xf32, #tpu.memory_space<vmem>>) target(%dma_start3A_136 : memref<25x128xf32, #tpu.memory_space<vmem_shared>>) target_semaphore(%run_scoped3A : memref<!tpu.dma_semaphore, #tpu.memory_space<semaphore_mem>>)
      %dma_wait3A = arith.constant 0 : i32
      %dma_wait3A_140 = arith.constant 0 : i32
      %dma_wait3A_141 = tpu.memref_slice %arg12[%dma_wait3A, %dma_wait3A_140] : memref<80x128xf32, #tpu.memory_space<vmem>> -> memref<25x128xf32, #tpu.memory_space<vmem>>
      %dma_wait3A_142 = arith.constant 0 : i32
      %dma_wait3A_143 = tpu.memref_slice %arg14[%add3A_32, %dma_wait3A_142] : memref<10000x128xf32, #tpu.memory_space<vmem_shared>> -> memref<25x128xf32, #tpu.memory_space<vmem_shared>>
      %dma_wait3A_144 = arith.constant 0 : i32
      %dma_wait3A_145 = tpu.memref_slice %arg14[%add3A_32, %dma_wait3A_144] : memref<10000x128xf32, #tpu.memory_space<vmem_shared>> -> memref<25x128xf32, #tpu.memory_space<vmem_shared>>
      %dma_wait3A_146 = arith.constant 0 : i32
      %dma_wait3A_147 = arith.constant 0 : i32
      %dma_wait3A_148 = tpu.memref_slice %arg12[%dma_wait3A_146, %dma_wait3A_147] : memref<80x128xf32, #tpu.memory_space<vmem>> -> memref<25x128xf32, #tpu.memory_space<vmem>>
      tpu.wait_dma2 semaphore(%run_scoped3A : memref<!tpu.dma_semaphore, #tpu.memory_space<semaphore_mem>>) src(%dma_wait3A_148 : memref<25x128xf32, #tpu.memory_space<vmem>>) dst(%dma_wait3A_145 : memref<25x128xf32, #tpu.memory_space<vmem_shared>>)
      tpu.yield
    }) : () -> ()
    %mul3A_33 = arith.constant 625 : i32
    %mul3A_34 = arith.muli %arg1, %mul3A_33 : i32
    %add3A_35 = arith.constant 150 : i32
    %add3A_36 = arith.addi %mul3A_34, %add3A_35 : i32
    "tpu.region"() ({
      %run_scoped3A = tpu.sem_alloc : memref<!tpu.dma_semaphore, #tpu.memory_space<semaphore_mem>>
      %dma_start3A_130 = arith.constant 0 : i32
      %dma_start3A_131 = arith.constant 0 : i32
      %dma_start3A_132 = tpu.memref_slice %arg12[%dma_start3A_130, %dma_start3A_131] : memref<80x128xf32, #tpu.memory_space<vmem>> -> memref<25x128xf32, #tpu.memory_space<vmem>>
      %dma_start3A_133 = arith.constant 0 : i32
      %dma_start3A_134 = tpu.memref_slice %arg14[%add3A_36, %dma_start3A_133] : memref<10000x128xf32, #tpu.memory_space<vmem_shared>> -> memref<25x128xf32, #tpu.memory_space<vmem_shared>>
      %dma_start3A_135 = arith.constant 0 : i32
      %dma_start3A_136 = tpu.memref_slice %arg14[%add3A_36, %dma_start3A_135] : memref<10000x128xf32, #tpu.memory_space<vmem_shared>> -> memref<25x128xf32, #tpu.memory_space<vmem_shared>>
      %dma_start3A_137 = arith.constant 0 : i32
      %dma_start3A_138 = arith.constant 0 : i32
      %dma_start3A_139 = tpu.memref_slice %arg12[%dma_start3A_137, %dma_start3A_138] : memref<80x128xf32, #tpu.memory_space<vmem>> -> memref<25x128xf32, #tpu.memory_space<vmem>>
      tpu.enqueue_dma source(%dma_start3A_139 : memref<25x128xf32, #tpu.memory_space<vmem>>) target(%dma_start3A_136 : memref<25x128xf32, #tpu.memory_space<vmem_shared>>) target_semaphore(%run_scoped3A : memref<!tpu.dma_semaphore, #tpu.memory_space<semaphore_mem>>)
      %dma_wait3A = arith.constant 0 : i32
      %dma_wait3A_140 = arith.constant 0 : i32
      %dma_wait3A_141 = tpu.memref_slice %arg12[%dma_wait3A, %dma_wait3A_140] : memref<80x128xf32, #tpu.memory_space<vmem>> -> memref<25x128xf32, #tpu.memory_space<vmem>>
      %dma_wait3A_142 = arith.constant 0 : i32
      %dma_wait3A_143 = tpu.memref_slice %arg14[%add3A_36, %dma_wait3A_142] : memref<10000x128xf32, #tpu.memory_space<vmem_shared>> -> memref<25x128xf32, #tpu.memory_space<vmem_shared>>
      %dma_wait3A_144 = arith.constant 0 : i32
      %dma_wait3A_145 = tpu.memref_slice %arg14[%add3A_36, %dma_wait3A_144] : memref<10000x128xf32, #tpu.memory_space<vmem_shared>> -> memref<25x128xf32, #tpu.memory_space<vmem_shared>>
      %dma_wait3A_146 = arith.constant 0 : i32
      %dma_wait3A_147 = arith.constant 0 : i32
      %dma_wait3A_148 = tpu.memref_slice %arg12[%dma_wait3A_146, %dma_wait3A_147] : memref<80x128xf32, #tpu.memory_space<vmem>> -> memref<25x128xf32, #tpu.memory_space<vmem>>
      tpu.wait_dma2 semaphore(%run_scoped3A : memref<!tpu.dma_semaphore, #tpu.memory_space<semaphore_mem>>) src(%dma_wait3A_148 : memref<25x128xf32, #tpu.memory_space<vmem>>) dst(%dma_wait3A_145 : memref<25x128xf32, #tpu.memory_space<vmem_shared>>)
      tpu.yield
    }) : () -> ()
    %mul3A_37 = arith.constant 625 : i32
    %mul3A_38 = arith.muli %arg1, %mul3A_37 : i32
    %add3A_39 = arith.constant 175 : i32
    %add3A_40 = arith.addi %mul3A_38, %add3A_39 : i32
    "tpu.region"() ({
      %run_scoped3A = tpu.sem_alloc : memref<!tpu.dma_semaphore, #tpu.memory_space<semaphore_mem>>
      %dma_start3A_130 = arith.constant 0 : i32
      %dma_start3A_131 = arith.constant 0 : i32
      %dma_start3A_132 = tpu.memref_slice %arg12[%dma_start3A_130, %dma_start3A_131] : memref<80x128xf32, #tpu.memory_space<vmem>> -> memref<25x128xf32, #tpu.memory_space<vmem>>
      %dma_start3A_133 = arith.constant 0 : i32
      %dma_start3A_134 = tpu.memref_slice %arg14[%add3A_40, %dma_start3A_133] : memref<10000x128xf32, #tpu.memory_space<vmem_shared>> -> memref<25x128xf32, #tpu.memory_space<vmem_shared>>
      %dma_start3A_135 = arith.constant 0 : i32
      %dma_start3A_136 = tpu.memref_slice %arg14[%add3A_40, %dma_start3A_135] : memref<10000x128xf32, #tpu.memory_space<vmem_shared>> -> memref<25x128xf32, #tpu.memory_space<vmem_shared>>
      %dma_start3A_137 = arith.constant 0 : i32
      %dma_start3A_138 = arith.constant 0 : i32
      %dma_start3A_139 = tpu.memref_slice %arg12[%dma_start3A_137, %dma_start3A_138] : memref<80x128xf32, #tpu.memory_space<vmem>> -> memref<25x128xf32, #tpu.memory_space<vmem>>
      tpu.enqueue_dma source(%dma_start3A_139 : memref<25x128xf32, #tpu.memory_space<vmem>>) target(%dma_start3A_136 : memref<25x128xf32, #tpu.memory_space<vmem_shared>>) target_semaphore(%run_scoped3A : memref<!tpu.dma_semaphore, #tpu.memory_space<semaphore_mem>>)
      %dma_wait3A = arith.constant 0 : i32
      %dma_wait3A_140 = arith.constant 0 : i32
      %dma_wait3A_141 = tpu.memref_slice %arg12[%dma_wait3A, %dma_wait3A_140] : memref<80x128xf32, #tpu.memory_space<vmem>> -> memref<25x128xf32, #tpu.memory_space<vmem>>
      %dma_wait3A_142 = arith.constant 0 : i32
      %dma_wait3A_143 = tpu.memref_slice %arg14[%add3A_40, %dma_wait3A_142] : memref<10000x128xf32, #tpu.memory_space<vmem_shared>> -> memref<25x128xf32, #tpu.memory_space<vmem_shared>>
      %dma_wait3A_144 = arith.constant 0 : i32
      %dma_wait3A_145 = tpu.memref_slice %arg14[%add3A_40, %dma_wait3A_144] : memref<10000x128xf32, #tpu.memory_space<vmem_shared>> -> memref<25x128xf32, #tpu.memory_space<vmem_shared>>
      %dma_wait3A_146 = arith.constant 0 : i32
      %dma_wait3A_147 = arith.constant 0 : i32
      %dma_wait3A_148 = tpu.memref_slice %arg12[%dma_wait3A_146, %dma_wait3A_147] : memref<80x128xf32, #tpu.memory_space<vmem>> -> memref<25x128xf32, #tpu.memory_space<vmem>>
      tpu.wait_dma2 semaphore(%run_scoped3A : memref<!tpu.dma_semaphore, #tpu.memory_space<semaphore_mem>>) src(%dma_wait3A_148 : memref<25x128xf32, #tpu.memory_space<vmem>>) dst(%dma_wait3A_145 : memref<25x128xf32, #tpu.memory_space<vmem_shared>>)
      tpu.yield
    }) : () -> ()
    %mul3A_41 = arith.constant 625 : i32
    %mul3A_42 = arith.muli %arg1, %mul3A_41 : i32
    %add3A_43 = arith.constant 200 : i32
    %add3A_44 = arith.addi %mul3A_42, %add3A_43 : i32
    "tpu.region"() ({
      %run_scoped3A = tpu.sem_alloc : memref<!tpu.dma_semaphore, #tpu.memory_space<semaphore_mem>>
      %dma_start3A_130 = arith.constant 0 : i32
      %dma_start3A_131 = arith.constant 0 : i32
      %dma_start3A_132 = tpu.memref_slice %arg12[%dma_start3A_130, %dma_start3A_131] : memref<80x128xf32, #tpu.memory_space<vmem>> -> memref<25x128xf32, #tpu.memory_space<vmem>>
      %dma_start3A_133 = arith.constant 0 : i32
      %dma_start3A_134 = tpu.memref_slice %arg14[%add3A_44, %dma_start3A_133] : memref<10000x128xf32, #tpu.memory_space<vmem_shared>> -> memref<25x128xf32, #tpu.memory_space<vmem_shared>>
      %dma_start3A_135 = arith.constant 0 : i32
      %dma_start3A_136 = tpu.memref_slice %arg14[%add3A_44, %dma_start3A_135] : memref<10000x128xf32, #tpu.memory_space<vmem_shared>> -> memref<25x128xf32, #tpu.memory_space<vmem_shared>>
      %dma_start3A_137 = arith.constant 0 : i32
      %dma_start3A_138 = arith.constant 0 : i32
      %dma_start3A_139 = tpu.memref_slice %arg12[%dma_start3A_137, %dma_start3A_138] : memref<80x128xf32, #tpu.memory_space<vmem>> -> memref<25x128xf32, #tpu.memory_space<vmem>>
      tpu.enqueue_dma source(%dma_start3A_139 : memref<25x128xf32, #tpu.memory_space<vmem>>) target(%dma_start3A_136 : memref<25x128xf32, #tpu.memory_space<vmem_shared>>) target_semaphore(%run_scoped3A : memref<!tpu.dma_semaphore, #tpu.memory_space<semaphore_mem>>)
      %dma_wait3A = arith.constant 0 : i32
      %dma_wait3A_140 = arith.constant 0 : i32
      %dma_wait3A_141 = tpu.memref_slice %arg12[%dma_wait3A, %dma_wait3A_140] : memref<80x128xf32, #tpu.memory_space<vmem>> -> memref<25x128xf32, #tpu.memory_space<vmem>>
      %dma_wait3A_142 = arith.constant 0 : i32
      %dma_wait3A_143 = tpu.memref_slice %arg14[%add3A_44, %dma_wait3A_142] : memref<10000x128xf32, #tpu.memory_space<vmem_shared>> -> memref<25x128xf32, #tpu.memory_space<vmem_shared>>
      %dma_wait3A_144 = arith.constant 0 : i32
      %dma_wait3A_145 = tpu.memref_slice %arg14[%add3A_44, %dma_wait3A_144] : memref<10000x128xf32, #tpu.memory_space<vmem_shared>> -> memref<25x128xf32, #tpu.memory_space<vmem_shared>>
      %dma_wait3A_146 = arith.constant 0 : i32
      %dma_wait3A_147 = arith.constant 0 : i32
      %dma_wait3A_148 = tpu.memref_slice %arg12[%dma_wait3A_146, %dma_wait3A_147] : memref<80x128xf32, #tpu.memory_space<vmem>> -> memref<25x128xf32, #tpu.memory_space<vmem>>
      tpu.wait_dma2 semaphore(%run_scoped3A : memref<!tpu.dma_semaphore, #tpu.memory_space<semaphore_mem>>) src(%dma_wait3A_148 : memref<25x128xf32, #tpu.memory_space<vmem>>) dst(%dma_wait3A_145 : memref<25x128xf32, #tpu.memory_space<vmem_shared>>)
      tpu.yield
    }) : () -> ()
    %mul3A_45 = arith.constant 625 : i32
    %mul3A_46 = arith.muli %arg1, %mul3A_45 : i32
    %add3A_47 = arith.constant 225 : i32
    %add3A_48 = arith.addi %mul3A_46, %add3A_47 : i32
    "tpu.region"() ({
      %run_scoped3A = tpu.sem_alloc : memref<!tpu.dma_semaphore, #tpu.memory_space<semaphore_mem>>
      %dma_start3A_130 = arith.constant 0 : i32
      %dma_start3A_131 = arith.constant 0 : i32
      %dma_start3A_132 = tpu.memref_slice %arg12[%dma_start3A_130, %dma_start3A_131] : memref<80x128xf32, #tpu.memory_space<vmem>> -> memref<25x128xf32, #tpu.memory_space<vmem>>
      %dma_start3A_133 = arith.constant 0 : i32
      %dma_start3A_134 = tpu.memref_slice %arg14[%add3A_48, %dma_start3A_133] : memref<10000x128xf32, #tpu.memory_space<vmem_shared>> -> memref<25x128xf32, #tpu.memory_space<vmem_shared>>
      %dma_start3A_135 = arith.constant 0 : i32
      %dma_start3A_136 = tpu.memref_slice %arg14[%add3A_48, %dma_start3A_135] : memref<10000x128xf32, #tpu.memory_space<vmem_shared>> -> memref<25x128xf32, #tpu.memory_space<vmem_shared>>
      %dma_start3A_137 = arith.constant 0 : i32
      %dma_start3A_138 = arith.constant 0 : i32
      %dma_start3A_139 = tpu.memref_slice %arg12[%dma_start3A_137, %dma_start3A_138] : memref<80x128xf32, #tpu.memory_space<vmem>> -> memref<25x128xf32, #tpu.memory_space<vmem>>
      tpu.enqueue_dma source(%dma_start3A_139 : memref<25x128xf32, #tpu.memory_space<vmem>>) target(%dma_start3A_136 : memref<25x128xf32, #tpu.memory_space<vmem_shared>>) target_semaphore(%run_scoped3A : memref<!tpu.dma_semaphore, #tpu.memory_space<semaphore_mem>>)
      %dma_wait3A = arith.constant 0 : i32
      %dma_wait3A_140 = arith.constant 0 : i32
      %dma_wait3A_141 = tpu.memref_slice %arg12[%dma_wait3A, %dma_wait3A_140] : memref<80x128xf32, #tpu.memory_space<vmem>> -> memref<25x128xf32, #tpu.memory_space<vmem>>
      %dma_wait3A_142 = arith.constant 0 : i32
      %dma_wait3A_143 = tpu.memref_slice %arg14[%add3A_48, %dma_wait3A_142] : memref<10000x128xf32, #tpu.memory_space<vmem_shared>> -> memref<25x128xf32, #tpu.memory_space<vmem_shared>>
      %dma_wait3A_144 = arith.constant 0 : i32
      %dma_wait3A_145 = tpu.memref_slice %arg14[%add3A_48, %dma_wait3A_144] : memref<10000x128xf32, #tpu.memory_space<vmem_shared>> -> memref<25x128xf32, #tpu.memory_space<vmem_shared>>
      %dma_wait3A_146 = arith.constant 0 : i32
      %dma_wait3A_147 = arith.constant 0 : i32
      %dma_wait3A_148 = tpu.memref_slice %arg12[%dma_wait3A_146, %dma_wait3A_147] : memref<80x128xf32, #tpu.memory_space<vmem>> -> memref<25x128xf32, #tpu.memory_space<vmem>>
      tpu.wait_dma2 semaphore(%run_scoped3A : memref<!tpu.dma_semaphore, #tpu.memory_space<semaphore_mem>>) src(%dma_wait3A_148 : memref<25x128xf32, #tpu.memory_space<vmem>>) dst(%dma_wait3A_145 : memref<25x128xf32, #tpu.memory_space<vmem_shared>>)
      tpu.yield
    }) : () -> ()
    %mul3A_49 = arith.constant 625 : i32
    %mul3A_50 = arith.muli %arg1, %mul3A_49 : i32
    %add3A_51 = arith.constant 250 : i32
    %add3A_52 = arith.addi %mul3A_50, %add3A_51 : i32
    "tpu.region"() ({
      %run_scoped3A = tpu.sem_alloc : memref<!tpu.dma_semaphore, #tpu.memory_space<semaphore_mem>>
      %dma_start3A_130 = arith.constant 0 : i32
      %dma_start3A_131 = arith.constant 0 : i32
      %dma_start3A_132 = tpu.memref_slice %arg12[%dma_start3A_130, %dma_start3A_131] : memref<80x128xf32, #tpu.memory_space<vmem>> -> memref<25x128xf32, #tpu.memory_space<vmem>>
      %dma_start3A_133 = arith.constant 0 : i32
      %dma_start3A_134 = tpu.memref_slice %arg14[%add3A_52, %dma_start3A_133] : memref<10000x128xf32, #tpu.memory_space<vmem_shared>> -> memref<25x128xf32, #tpu.memory_space<vmem_shared>>
      %dma_start3A_135 = arith.constant 0 : i32
      %dma_start3A_136 = tpu.memref_slice %arg14[%add3A_52, %dma_start3A_135] : memref<10000x128xf32, #tpu.memory_space<vmem_shared>> -> memref<25x128xf32, #tpu.memory_space<vmem_shared>>
      %dma_start3A_137 = arith.constant 0 : i32
      %dma_start3A_138 = arith.constant 0 : i32
      %dma_start3A_139 = tpu.memref_slice %arg12[%dma_start3A_137, %dma_start3A_138] : memref<80x128xf32, #tpu.memory_space<vmem>> -> memref<25x128xf32, #tpu.memory_space<vmem>>
      tpu.enqueue_dma source(%dma_start3A_139 : memref<25x128xf32, #tpu.memory_space<vmem>>) target(%dma_start3A_136 : memref<25x128xf32, #tpu.memory_space<vmem_shared>>) target_semaphore(%run_scoped3A : memref<!tpu.dma_semaphore, #tpu.memory_space<semaphore_mem>>)
      %dma_wait3A = arith.constant 0 : i32
      %dma_wait3A_140 = arith.constant 0 : i32
      %dma_wait3A_141 = tpu.memref_slice %arg12[%dma_wait3A, %dma_wait3A_140] : memref<80x128xf32, #tpu.memory_space<vmem>> -> memref<25x128xf32, #tpu.memory_space<vmem>>
      %dma_wait3A_142 = arith.constant 0 : i32
      %dma_wait3A_143 = tpu.memref_slice %arg14[%add3A_52, %dma_wait3A_142] : memref<10000x128xf32, #tpu.memory_space<vmem_shared>> -> memref<25x128xf32, #tpu.memory_space<vmem_shared>>
      %dma_wait3A_144 = arith.constant 0 : i32
      %dma_wait3A_145 = tpu.memref_slice %arg14[%add3A_52, %dma_wait3A_144] : memref<10000x128xf32, #tpu.memory_space<vmem_shared>> -> memref<25x128xf32, #tpu.memory_space<vmem_shared>>
      %dma_wait3A_146 = arith.constant 0 : i32
      %dma_wait3A_147 = arith.constant 0 : i32
      %dma_wait3A_148 = tpu.memref_slice %arg12[%dma_wait3A_146, %dma_wait3A_147] : memref<80x128xf32, #tpu.memory_space<vmem>> -> memref<25x128xf32, #tpu.memory_space<vmem>>
      tpu.wait_dma2 semaphore(%run_scoped3A : memref<!tpu.dma_semaphore, #tpu.memory_space<semaphore_mem>>) src(%dma_wait3A_148 : memref<25x128xf32, #tpu.memory_space<vmem>>) dst(%dma_wait3A_145 : memref<25x128xf32, #tpu.memory_space<vmem_shared>>)
      tpu.yield
    }) : () -> ()
    %mul3A_53 = arith.constant 625 : i32
    %mul3A_54 = arith.muli %arg1, %mul3A_53 : i32
    %add3A_55 = arith.constant 275 : i32
    %add3A_56 = arith.addi %mul3A_54, %add3A_55 : i32
    "tpu.region"() ({
      %run_scoped3A = tpu.sem_alloc : memref<!tpu.dma_semaphore, #tpu.memory_space<semaphore_mem>>
      %dma_start3A_130 = arith.constant 0 : i32
      %dma_start3A_131 = arith.constant 0 : i32
      %dma_start3A_132 = tpu.memref_slice %arg12[%dma_start3A_130, %dma_start3A_131] : memref<80x128xf32, #tpu.memory_space<vmem>> -> memref<25x128xf32, #tpu.memory_space<vmem>>
      %dma_start3A_133 = arith.constant 0 : i32
      %dma_start3A_134 = tpu.memref_slice %arg14[%add3A_56, %dma_start3A_133] : memref<10000x128xf32, #tpu.memory_space<vmem_shared>> -> memref<25x128xf32, #tpu.memory_space<vmem_shared>>
      %dma_start3A_135 = arith.constant 0 : i32
      %dma_start3A_136 = tpu.memref_slice %arg14[%add3A_56, %dma_start3A_135] : memref<10000x128xf32, #tpu.memory_space<vmem_shared>> -> memref<25x128xf32, #tpu.memory_space<vmem_shared>>
      %dma_start3A_137 = arith.constant 0 : i32
      %dma_start3A_138 = arith.constant 0 : i32
      %dma_start3A_139 = tpu.memref_slice %arg12[%dma_start3A_137, %dma_start3A_138] : memref<80x128xf32, #tpu.memory_space<vmem>> -> memref<25x128xf32, #tpu.memory_space<vmem>>
      tpu.enqueue_dma source(%dma_start3A_139 : memref<25x128xf32, #tpu.memory_space<vmem>>) target(%dma_start3A_136 : memref<25x128xf32, #tpu.memory_space<vmem_shared>>) target_semaphore(%run_scoped3A : memref<!tpu.dma_semaphore, #tpu.memory_space<semaphore_mem>>)
      %dma_wait3A = arith.constant 0 : i32
      %dma_wait3A_140 = arith.constant 0 : i32
      %dma_wait3A_141 = tpu.memref_slice %arg12[%dma_wait3A, %dma_wait3A_140] : memref<80x128xf32, #tpu.memory_space<vmem>> -> memref<25x128xf32, #tpu.memory_space<vmem>>
      %dma_wait3A_142 = arith.constant 0 : i32
      %dma_wait3A_143 = tpu.memref_slice %arg14[%add3A_56, %dma_wait3A_142] : memref<10000x128xf32, #tpu.memory_space<vmem_shared>> -> memref<25x128xf32, #tpu.memory_space<vmem_shared>>
      %dma_wait3A_144 = arith.constant 0 : i32
      %dma_wait3A_145 = tpu.memref_slice %arg14[%add3A_56, %dma_wait3A_144] : memref<10000x128xf32, #tpu.memory_space<vmem_shared>> -> memref<25x128xf32, #tpu.memory_space<vmem_shared>>
      %dma_wait3A_146 = arith.constant 0 : i32
      %dma_wait3A_147 = arith.constant 0 : i32
      %dma_wait3A_148 = tpu.memref_slice %arg12[%dma_wait3A_146, %dma_wait3A_147] : memref<80x128xf32, #tpu.memory_space<vmem>> -> memref<25x128xf32, #tpu.memory_space<vmem>>
      tpu.wait_dma2 semaphore(%run_scoped3A : memref<!tpu.dma_semaphore, #tpu.memory_space<semaphore_mem>>) src(%dma_wait3A_148 : memref<25x128xf32, #tpu.memory_space<vmem>>) dst(%dma_wait3A_145 : memref<25x128xf32, #tpu.memory_space<vmem_shared>>)
      tpu.yield
    }) : () -> ()
    %mul3A_57 = arith.constant 625 : i32
    %mul3A_58 = arith.muli %arg1, %mul3A_57 : i32
    %add3A_59 = arith.constant 300 : i32
    %add3A_60 = arith.addi %mul3A_58, %add3A_59 : i32
    "tpu.region"() ({
      %run_scoped3A = tpu.sem_alloc : memref<!tpu.dma_semaphore, #tpu.memory_space<semaphore_mem>>
      %dma_start3A_130 = arith.constant 0 : i32
      %dma_start3A_131 = arith.constant 0 : i32
      %dma_start3A_132 = tpu.memref_slice %arg12[%dma_start3A_130, %dma_start3A_131] : memref<80x128xf32, #tpu.memory_space<vmem>> -> memref<25x128xf32, #tpu.memory_space<vmem>>
      %dma_start3A_133 = arith.constant 0 : i32
      %dma_start3A_134 = tpu.memref_slice %arg14[%add3A_60, %dma_start3A_133] : memref<10000x128xf32, #tpu.memory_space<vmem_shared>> -> memref<25x128xf32, #tpu.memory_space<vmem_shared>>
      %dma_start3A_135 = arith.constant 0 : i32
      %dma_start3A_136 = tpu.memref_slice %arg14[%add3A_60, %dma_start3A_135] : memref<10000x128xf32, #tpu.memory_space<vmem_shared>> -> memref<25x128xf32, #tpu.memory_space<vmem_shared>>
      %dma_start3A_137 = arith.constant 0 : i32
      %dma_start3A_138 = arith.constant 0 : i32
      %dma_start3A_139 = tpu.memref_slice %arg12[%dma_start3A_137, %dma_start3A_138] : memref<80x128xf32, #tpu.memory_space<vmem>> -> memref<25x128xf32, #tpu.memory_space<vmem>>
      tpu.enqueue_dma source(%dma_start3A_139 : memref<25x128xf32, #tpu.memory_space<vmem>>) target(%dma_start3A_136 : memref<25x128xf32, #tpu.memory_space<vmem_shared>>) target_semaphore(%run_scoped3A : memref<!tpu.dma_semaphore, #tpu.memory_space<semaphore_mem>>)
      %dma_wait3A = arith.constant 0 : i32
      %dma_wait3A_140 = arith.constant 0 : i32
      %dma_wait3A_141 = tpu.memref_slice %arg12[%dma_wait3A, %dma_wait3A_140] : memref<80x128xf32, #tpu.memory_space<vmem>> -> memref<25x128xf32, #tpu.memory_space<vmem>>
      %dma_wait3A_142 = arith.constant 0 : i32
      %dma_wait3A_143 = tpu.memref_slice %arg14[%add3A_60, %dma_wait3A_142] : memref<10000x128xf32, #tpu.memory_space<vmem_shared>> -> memref<25x128xf32, #tpu.memory_space<vmem_shared>>
      %dma_wait3A_144 = arith.constant 0 : i32
      %dma_wait3A_145 = tpu.memref_slice %arg14[%add3A_60, %dma_wait3A_144] : memref<10000x128xf32, #tpu.memory_space<vmem_shared>> -> memref<25x128xf32, #tpu.memory_space<vmem_shared>>
      %dma_wait3A_146 = arith.constant 0 : i32
      %dma_wait3A_147 = arith.constant 0 : i32
      %dma_wait3A_148 = tpu.memref_slice %arg12[%dma_wait3A_146, %dma_wait3A_147] : memref<80x128xf32, #tpu.memory_space<vmem>> -> memref<25x128xf32, #tpu.memory_space<vmem>>
      tpu.wait_dma2 semaphore(%run_scoped3A : memref<!tpu.dma_semaphore, #tpu.memory_space<semaphore_mem>>) src(%dma_wait3A_148 : memref<25x128xf32, #tpu.memory_space<vmem>>) dst(%dma_wait3A_145 : memref<25x128xf32, #tpu.memory_space<vmem_shared>>)
      tpu.yield
    }) : () -> ()
    %mul3A_61 = arith.constant 625 : i32
    %mul3A_62 = arith.muli %arg1, %mul3A_61 : i32
    %add3A_63 = arith.constant 325 : i32
    %add3A_64 = arith.addi %mul3A_62, %add3A_63 : i32
    "tpu.region"() ({
      %run_scoped3A = tpu.sem_alloc : memref<!tpu.dma_semaphore, #tpu.memory_space<semaphore_mem>>
      %dma_start3A_130 = arith.constant 0 : i32
      %dma_start3A_131 = arith.constant 0 : i32
      %dma_start3A_132 = tpu.memref_slice %arg12[%dma_start3A_130, %dma_start3A_131] : memref<80x128xf32, #tpu.memory_space<vmem>> -> memref<25x128xf32, #tpu.memory_space<vmem>>
      %dma_start3A_133 = arith.constant 0 : i32
      %dma_start3A_134 = tpu.memref_slice %arg14[%add3A_64, %dma_start3A_133] : memref<10000x128xf32, #tpu.memory_space<vmem_shared>> -> memref<25x128xf32, #tpu.memory_space<vmem_shared>>
      %dma_start3A_135 = arith.constant 0 : i32
      %dma_start3A_136 = tpu.memref_slice %arg14[%add3A_64, %dma_start3A_135] : memref<10000x128xf32, #tpu.memory_space<vmem_shared>> -> memref<25x128xf32, #tpu.memory_space<vmem_shared>>
      %dma_start3A_137 = arith.constant 0 : i32
      %dma_start3A_138 = arith.constant 0 : i32
      %dma_start3A_139 = tpu.memref_slice %arg12[%dma_start3A_137, %dma_start3A_138] : memref<80x128xf32, #tpu.memory_space<vmem>> -> memref<25x128xf32, #tpu.memory_space<vmem>>
      tpu.enqueue_dma source(%dma_start3A_139 : memref<25x128xf32, #tpu.memory_space<vmem>>) target(%dma_start3A_136 : memref<25x128xf32, #tpu.memory_space<vmem_shared>>) target_semaphore(%run_scoped3A : memref<!tpu.dma_semaphore, #tpu.memory_space<semaphore_mem>>)
      %dma_wait3A = arith.constant 0 : i32
      %dma_wait3A_140 = arith.constant 0 : i32
      %dma_wait3A_141 = tpu.memref_slice %arg12[%dma_wait3A, %dma_wait3A_140] : memref<80x128xf32, #tpu.memory_space<vmem>> -> memref<25x128xf32, #tpu.memory_space<vmem>>
      %dma_wait3A_142 = arith.constant 0 : i32
      %dma_wait3A_143 = tpu.memref_slice %arg14[%add3A_64, %dma_wait3A_142] : memref<10000x128xf32, #tpu.memory_space<vmem_shared>> -> memref<25x128xf32, #tpu.memory_space<vmem_shared>>
      %dma_wait3A_144 = arith.constant 0 : i32
      %dma_wait3A_145 = tpu.memref_slice %arg14[%add3A_64, %dma_wait3A_144] : memref<10000x128xf32, #tpu.memory_space<vmem_shared>> -> memref<25x128xf32, #tpu.memory_space<vmem_shared>>
      %dma_wait3A_146 = arith.constant 0 : i32
      %dma_wait3A_147 = arith.constant 0 : i32
      %dma_wait3A_148 = tpu.memref_slice %arg12[%dma_wait3A_146, %dma_wait3A_147] : memref<80x128xf32, #tpu.memory_space<vmem>> -> memref<25x128xf32, #tpu.memory_space<vmem>>
      tpu.wait_dma2 semaphore(%run_scoped3A : memref<!tpu.dma_semaphore, #tpu.memory_space<semaphore_mem>>) src(%dma_wait3A_148 : memref<25x128xf32, #tpu.memory_space<vmem>>) dst(%dma_wait3A_145 : memref<25x128xf32, #tpu.memory_space<vmem_shared>>)
      tpu.yield
    }) : () -> ()
    %mul3A_65 = arith.constant 625 : i32
    %mul3A_66 = arith.muli %arg1, %mul3A_65 : i32
    %add3A_67 = arith.constant 350 : i32
    %add3A_68 = arith.addi %mul3A_66, %add3A_67 : i32
    "tpu.region"() ({
      %run_scoped3A = tpu.sem_alloc : memref<!tpu.dma_semaphore, #tpu.memory_space<semaphore_mem>>
      %dma_start3A_130 = arith.constant 0 : i32
      %dma_start3A_131 = arith.constant 0 : i32
      %dma_start3A_132 = tpu.memref_slice %arg12[%dma_start3A_130, %dma_start3A_131] : memref<80x128xf32, #tpu.memory_space<vmem>> -> memref<25x128xf32, #tpu.memory_space<vmem>>
      %dma_start3A_133 = arith.constant 0 : i32
      %dma_start3A_134 = tpu.memref_slice %arg14[%add3A_68, %dma_start3A_133] : memref<10000x128xf32, #tpu.memory_space<vmem_shared>> -> memref<25x128xf32, #tpu.memory_space<vmem_shared>>
      %dma_start3A_135 = arith.constant 0 : i32
      %dma_start3A_136 = tpu.memref_slice %arg14[%add3A_68, %dma_start3A_135] : memref<10000x128xf32, #tpu.memory_space<vmem_shared>> -> memref<25x128xf32, #tpu.memory_space<vmem_shared>>
      %dma_start3A_137 = arith.constant 0 : i32
      %dma_start3A_138 = arith.constant 0 : i32
      %dma_start3A_139 = tpu.memref_slice %arg12[%dma_start3A_137, %dma_start3A_138] : memref<80x128xf32, #tpu.memory_space<vmem>> -> memref<25x128xf32, #tpu.memory_space<vmem>>
      tpu.enqueue_dma source(%dma_start3A_139 : memref<25x128xf32, #tpu.memory_space<vmem>>) target(%dma_start3A_136 : memref<25x128xf32, #tpu.memory_space<vmem_shared>>) target_semaphore(%run_scoped3A : memref<!tpu.dma_semaphore, #tpu.memory_space<semaphore_mem>>)
      %dma_wait3A = arith.constant 0 : i32
      %dma_wait3A_140 = arith.constant 0 : i32
      %dma_wait3A_141 = tpu.memref_slice %arg12[%dma_wait3A, %dma_wait3A_140] : memref<80x128xf32, #tpu.memory_space<vmem>> -> memref<25x128xf32, #tpu.memory_space<vmem>>
      %dma_wait3A_142 = arith.constant 0 : i32
      %dma_wait3A_143 = tpu.memref_slice %arg14[%add3A_68, %dma_wait3A_142] : memref<10000x128xf32, #tpu.memory_space<vmem_shared>> -> memref<25x128xf32, #tpu.memory_space<vmem_shared>>
      %dma_wait3A_144 = arith.constant 0 : i32
      %dma_wait3A_145 = tpu.memref_slice %arg14[%add3A_68, %dma_wait3A_144] : memref<10000x128xf32, #tpu.memory_space<vmem_shared>> -> memref<25x128xf32, #tpu.memory_space<vmem_shared>>
      %dma_wait3A_146 = arith.constant 0 : i32
      %dma_wait3A_147 = arith.constant 0 : i32
      %dma_wait3A_148 = tpu.memref_slice %arg12[%dma_wait3A_146, %dma_wait3A_147] : memref<80x128xf32, #tpu.memory_space<vmem>> -> memref<25x128xf32, #tpu.memory_space<vmem>>
      tpu.wait_dma2 semaphore(%run_scoped3A : memref<!tpu.dma_semaphore, #tpu.memory_space<semaphore_mem>>) src(%dma_wait3A_148 : memref<25x128xf32, #tpu.memory_space<vmem>>) dst(%dma_wait3A_145 : memref<25x128xf32, #tpu.memory_space<vmem_shared>>)
      tpu.yield
    }) : () -> ()
    %mul3A_69 = arith.constant 625 : i32
    %mul3A_70 = arith.muli %arg1, %mul3A_69 : i32
    %add3A_71 = arith.constant 375 : i32
    %add3A_72 = arith.addi %mul3A_70, %add3A_71 : i32
    "tpu.region"() ({
      %run_scoped3A = tpu.sem_alloc : memref<!tpu.dma_semaphore, #tpu.memory_space<semaphore_mem>>
      %dma_start3A_130 = arith.constant 0 : i32
      %dma_start3A_131 = arith.constant 0 : i32
      %dma_start3A_132 = tpu.memref_slice %arg12[%dma_start3A_130, %dma_start3A_131] : memref<80x128xf32, #tpu.memory_space<vmem>> -> memref<25x128xf32, #tpu.memory_space<vmem>>
      %dma_start3A_133 = arith.constant 0 : i32
      %dma_start3A_134 = tpu.memref_slice %arg14[%add3A_72, %dma_start3A_133] : memref<10000x128xf32, #tpu.memory_space<vmem_shared>> -> memref<25x128xf32, #tpu.memory_space<vmem_shared>>
      %dma_start3A_135 = arith.constant 0 : i32
      %dma_start3A_136 = tpu.memref_slice %arg14[%add3A_72, %dma_start3A_135] : memref<10000x128xf32, #tpu.memory_space<vmem_shared>> -> memref<25x128xf32, #tpu.memory_space<vmem_shared>>
      %dma_start3A_137 = arith.constant 0 : i32
      %dma_start3A_138 = arith.constant 0 : i32
      %dma_start3A_139 = tpu.memref_slice %arg12[%dma_start3A_137, %dma_start3A_138] : memref<80x128xf32, #tpu.memory_space<vmem>> -> memref<25x128xf32, #tpu.memory_space<vmem>>
      tpu.enqueue_dma source(%dma_start3A_139 : memref<25x128xf32, #tpu.memory_space<vmem>>) target(%dma_start3A_136 : memref<25x128xf32, #tpu.memory_space<vmem_shared>>) target_semaphore(%run_scoped3A : memref<!tpu.dma_semaphore, #tpu.memory_space<semaphore_mem>>)
      %dma_wait3A = arith.constant 0 : i32
      %dma_wait3A_140 = arith.constant 0 : i32
      %dma_wait3A_141 = tpu.memref_slice %arg12[%dma_wait3A, %dma_wait3A_140] : memref<80x128xf32, #tpu.memory_space<vmem>> -> memref<25x128xf32, #tpu.memory_space<vmem>>
      %dma_wait3A_142 = arith.constant 0 : i32
      %dma_wait3A_143 = tpu.memref_slice %arg14[%add3A_72, %dma_wait3A_142] : memref<10000x128xf32, #tpu.memory_space<vmem_shared>> -> memref<25x128xf32, #tpu.memory_space<vmem_shared>>
      %dma_wait3A_144 = arith.constant 0 : i32
      %dma_wait3A_145 = tpu.memref_slice %arg14[%add3A_72, %dma_wait3A_144] : memref<10000x128xf32, #tpu.memory_space<vmem_shared>> -> memref<25x128xf32, #tpu.memory_space<vmem_shared>>
      %dma_wait3A_146 = arith.constant 0 : i32
      %dma_wait3A_147 = arith.constant 0 : i32
      %dma_wait3A_148 = tpu.memref_slice %arg12[%dma_wait3A_146, %dma_wait3A_147] : memref<80x128xf32, #tpu.memory_space<vmem>> -> memref<25x128xf32, #tpu.memory_space<vmem>>
      tpu.wait_dma2 semaphore(%run_scoped3A : memref<!tpu.dma_semaphore, #tpu.memory_space<semaphore_mem>>) src(%dma_wait3A_148 : memref<25x128xf32, #tpu.memory_space<vmem>>) dst(%dma_wait3A_145 : memref<25x128xf32, #tpu.memory_space<vmem_shared>>)
      tpu.yield
    }) : () -> ()
    %mul3A_73 = arith.constant 625 : i32
    %mul3A_74 = arith.muli %arg1, %mul3A_73 : i32
    %add3A_75 = arith.constant 400 : i32
    %add3A_76 = arith.addi %mul3A_74, %add3A_75 : i32
    "tpu.region"() ({
      %run_scoped3A = tpu.sem_alloc : memref<!tpu.dma_semaphore, #tpu.memory_space<semaphore_mem>>
      %dma_start3A_130 = arith.constant 0 : i32
      %dma_start3A_131 = arith.constant 0 : i32
      %dma_start3A_132 = tpu.memref_slice %arg12[%dma_start3A_130, %dma_start3A_131] : memref<80x128xf32, #tpu.memory_space<vmem>> -> memref<25x128xf32, #tpu.memory_space<vmem>>
      %dma_start3A_133 = arith.constant 0 : i32
      %dma_start3A_134 = tpu.memref_slice %arg14[%add3A_76, %dma_start3A_133] : memref<10000x128xf32, #tpu.memory_space<vmem_shared>> -> memref<25x128xf32, #tpu.memory_space<vmem_shared>>
      %dma_start3A_135 = arith.constant 0 : i32
      %dma_start3A_136 = tpu.memref_slice %arg14[%add3A_76, %dma_start3A_135] : memref<10000x128xf32, #tpu.memory_space<vmem_shared>> -> memref<25x128xf32, #tpu.memory_space<vmem_shared>>
      %dma_start3A_137 = arith.constant 0 : i32
      %dma_start3A_138 = arith.constant 0 : i32
      %dma_start3A_139 = tpu.memref_slice %arg12[%dma_start3A_137, %dma_start3A_138] : memref<80x128xf32, #tpu.memory_space<vmem>> -> memref<25x128xf32, #tpu.memory_space<vmem>>
      tpu.enqueue_dma source(%dma_start3A_139 : memref<25x128xf32, #tpu.memory_space<vmem>>) target(%dma_start3A_136 : memref<25x128xf32, #tpu.memory_space<vmem_shared>>) target_semaphore(%run_scoped3A : memref<!tpu.dma_semaphore, #tpu.memory_space<semaphore_mem>>)
      %dma_wait3A = arith.constant 0 : i32
      %dma_wait3A_140 = arith.constant 0 : i32
      %dma_wait3A_141 = tpu.memref_slice %arg12[%dma_wait3A, %dma_wait3A_140] : memref<80x128xf32, #tpu.memory_space<vmem>> -> memref<25x128xf32, #tpu.memory_space<vmem>>
      %dma_wait3A_142 = arith.constant 0 : i32
      %dma_wait3A_143 = tpu.memref_slice %arg14[%add3A_76, %dma_wait3A_142] : memref<10000x128xf32, #tpu.memory_space<vmem_shared>> -> memref<25x128xf32, #tpu.memory_space<vmem_shared>>
      %dma_wait3A_144 = arith.constant 0 : i32
      %dma_wait3A_145 = tpu.memref_slice %arg14[%add3A_76, %dma_wait3A_144] : memref<10000x128xf32, #tpu.memory_space<vmem_shared>> -> memref<25x128xf32, #tpu.memory_space<vmem_shared>>
      %dma_wait3A_146 = arith.constant 0 : i32
      %dma_wait3A_147 = arith.constant 0 : i32
      %dma_wait3A_148 = tpu.memref_slice %arg12[%dma_wait3A_146, %dma_wait3A_147] : memref<80x128xf32, #tpu.memory_space<vmem>> -> memref<25x128xf32, #tpu.memory_space<vmem>>
      tpu.wait_dma2 semaphore(%run_scoped3A : memref<!tpu.dma_semaphore, #tpu.memory_space<semaphore_mem>>) src(%dma_wait3A_148 : memref<25x128xf32, #tpu.memory_space<vmem>>) dst(%dma_wait3A_145 : memref<25x128xf32, #tpu.memory_space<vmem_shared>>)
      tpu.yield
    }) : () -> ()
    %mul3A_77 = arith.constant 625 : i32
    %mul3A_78 = arith.muli %arg1, %mul3A_77 : i32
    %add3A_79 = arith.constant 425 : i32
    %add3A_80 = arith.addi %mul3A_78, %add3A_79 : i32
    "tpu.region"() ({
      %run_scoped3A = tpu.sem_alloc : memref<!tpu.dma_semaphore, #tpu.memory_space<semaphore_mem>>
      %dma_start3A_130 = arith.constant 0 : i32
      %dma_start3A_131 = arith.constant 0 : i32
      %dma_start3A_132 = tpu.memref_slice %arg12[%dma_start3A_130, %dma_start3A_131] : memref<80x128xf32, #tpu.memory_space<vmem>> -> memref<25x128xf32, #tpu.memory_space<vmem>>
      %dma_start3A_133 = arith.constant 0 : i32
      %dma_start3A_134 = tpu.memref_slice %arg14[%add3A_80, %dma_start3A_133] : memref<10000x128xf32, #tpu.memory_space<vmem_shared>> -> memref<25x128xf32, #tpu.memory_space<vmem_shared>>
      %dma_start3A_135 = arith.constant 0 : i32
      %dma_start3A_136 = tpu.memref_slice %arg14[%add3A_80, %dma_start3A_135] : memref<10000x128xf32, #tpu.memory_space<vmem_shared>> -> memref<25x128xf32, #tpu.memory_space<vmem_shared>>
      %dma_start3A_137 = arith.constant 0 : i32
      %dma_start3A_138 = arith.constant 0 : i32
      %dma_start3A_139 = tpu.memref_slice %arg12[%dma_start3A_137, %dma_start3A_138] : memref<80x128xf32, #tpu.memory_space<vmem>> -> memref<25x128xf32, #tpu.memory_space<vmem>>
      tpu.enqueue_dma source(%dma_start3A_139 : memref<25x128xf32, #tpu.memory_space<vmem>>) target(%dma_start3A_136 : memref<25x128xf32, #tpu.memory_space<vmem_shared>>) target_semaphore(%run_scoped3A : memref<!tpu.dma_semaphore, #tpu.memory_space<semaphore_mem>>)
      %dma_wait3A = arith.constant 0 : i32
      %dma_wait3A_140 = arith.constant 0 : i32
      %dma_wait3A_141 = tpu.memref_slice %arg12[%dma_wait3A, %dma_wait3A_140] : memref<80x128xf32, #tpu.memory_space<vmem>> -> memref<25x128xf32, #tpu.memory_space<vmem>>
      %dma_wait3A_142 = arith.constant 0 : i32
      %dma_wait3A_143 = tpu.memref_slice %arg14[%add3A_80, %dma_wait3A_142] : memref<10000x128xf32, #tpu.memory_space<vmem_shared>> -> memref<25x128xf32, #tpu.memory_space<vmem_shared>>
      %dma_wait3A_144 = arith.constant 0 : i32
      %dma_wait3A_145 = tpu.memref_slice %arg14[%add3A_80, %dma_wait3A_144] : memref<10000x128xf32, #tpu.memory_space<vmem_shared>> -> memref<25x128xf32, #tpu.memory_space<vmem_shared>>
      %dma_wait3A_146 = arith.constant 0 : i32
      %dma_wait3A_147 = arith.constant 0 : i32
      %dma_wait3A_148 = tpu.memref_slice %arg12[%dma_wait3A_146, %dma_wait3A_147] : memref<80x128xf32, #tpu.memory_space<vmem>> -> memref<25x128xf32, #tpu.memory_space<vmem>>
      tpu.wait_dma2 semaphore(%run_scoped3A : memref<!tpu.dma_semaphore, #tpu.memory_space<semaphore_mem>>) src(%dma_wait3A_148 : memref<25x128xf32, #tpu.memory_space<vmem>>) dst(%dma_wait3A_145 : memref<25x128xf32, #tpu.memory_space<vmem_shared>>)
      tpu.yield
    }) : () -> ()
    %mul3A_81 = arith.constant 625 : i32
    %mul3A_82 = arith.muli %arg1, %mul3A_81 : i32
    %add3A_83 = arith.constant 450 : i32
    %add3A_84 = arith.addi %mul3A_82, %add3A_83 : i32
    "tpu.region"() ({
      %run_scoped3A = tpu.sem_alloc : memref<!tpu.dma_semaphore, #tpu.memory_space<semaphore_mem>>
      %dma_start3A_130 = arith.constant 0 : i32
      %dma_start3A_131 = arith.constant 0 : i32
      %dma_start3A_132 = tpu.memref_slice %arg12[%dma_start3A_130, %dma_start3A_131] : memref<80x128xf32, #tpu.memory_space<vmem>> -> memref<25x128xf32, #tpu.memory_space<vmem>>
      %dma_start3A_133 = arith.constant 0 : i32
      %dma_start3A_134 = tpu.memref_slice %arg14[%add3A_84, %dma_start3A_133] : memref<10000x128xf32, #tpu.memory_space<vmem_shared>> -> memref<25x128xf32, #tpu.memory_space<vmem_shared>>
      %dma_start3A_135 = arith.constant 0 : i32
      %dma_start3A_136 = tpu.memref_slice %arg14[%add3A_84, %dma_start3A_135] : memref<10000x128xf32, #tpu.memory_space<vmem_shared>> -> memref<25x128xf32, #tpu.memory_space<vmem_shared>>
      %dma_start3A_137 = arith.constant 0 : i32
      %dma_start3A_138 = arith.constant 0 : i32
      %dma_start3A_139 = tpu.memref_slice %arg12[%dma_start3A_137, %dma_start3A_138] : memref<80x128xf32, #tpu.memory_space<vmem>> -> memref<25x128xf32, #tpu.memory_space<vmem>>
      tpu.enqueue_dma source(%dma_start3A_139 : memref<25x128xf32, #tpu.memory_space<vmem>>) target(%dma_start3A_136 : memref<25x128xf32, #tpu.memory_space<vmem_shared>>) target_semaphore(%run_scoped3A : memref<!tpu.dma_semaphore, #tpu.memory_space<semaphore_mem>>)
      %dma_wait3A = arith.constant 0 : i32
      %dma_wait3A_140 = arith.constant 0 : i32
      %dma_wait3A_141 = tpu.memref_slice %arg12[%dma_wait3A, %dma_wait3A_140] : memref<80x128xf32, #tpu.memory_space<vmem>> -> memref<25x128xf32, #tpu.memory_space<vmem>>
      %dma_wait3A_142 = arith.constant 0 : i32
      %dma_wait3A_143 = tpu.memref_slice %arg14[%add3A_84, %dma_wait3A_142] : memref<10000x128xf32, #tpu.memory_space<vmem_shared>> -> memref<25x128xf32, #tpu.memory_space<vmem_shared>>
      %dma_wait3A_144 = arith.constant 0 : i32
      %dma_wait3A_145 = tpu.memref_slice %arg14[%add3A_84, %dma_wait3A_144] : memref<10000x128xf32, #tpu.memory_space<vmem_shared>> -> memref<25x128xf32, #tpu.memory_space<vmem_shared>>
      %dma_wait3A_146 = arith.constant 0 : i32
      %dma_wait3A_147 = arith.constant 0 : i32
      %dma_wait3A_148 = tpu.memref_slice %arg12[%dma_wait3A_146, %dma_wait3A_147] : memref<80x128xf32, #tpu.memory_space<vmem>> -> memref<25x128xf32, #tpu.memory_space<vmem>>
      tpu.wait_dma2 semaphore(%run_scoped3A : memref<!tpu.dma_semaphore, #tpu.memory_space<semaphore_mem>>) src(%dma_wait3A_148 : memref<25x128xf32, #tpu.memory_space<vmem>>) dst(%dma_wait3A_145 : memref<25x128xf32, #tpu.memory_space<vmem_shared>>)
      tpu.yield
    }) : () -> ()
    %mul3A_85 = arith.constant 625 : i32
    %mul3A_86 = arith.muli %arg1, %mul3A_85 : i32
    %add3A_87 = arith.constant 475 : i32
    %add3A_88 = arith.addi %mul3A_86, %add3A_87 : i32
    "tpu.region"() ({
      %run_scoped3A = tpu.sem_alloc : memref<!tpu.dma_semaphore, #tpu.memory_space<semaphore_mem>>
      %dma_start3A_130 = arith.constant 0 : i32
      %dma_start3A_131 = arith.constant 0 : i32
      %dma_start3A_132 = tpu.memref_slice %arg12[%dma_start3A_130, %dma_start3A_131] : memref<80x128xf32, #tpu.memory_space<vmem>> -> memref<25x128xf32, #tpu.memory_space<vmem>>
      %dma_start3A_133 = arith.constant 0 : i32
      %dma_start3A_134 = tpu.memref_slice %arg14[%add3A_88, %dma_start3A_133] : memref<10000x128xf32, #tpu.memory_space<vmem_shared>> -> memref<25x128xf32, #tpu.memory_space<vmem_shared>>
      %dma_start3A_135 = arith.constant 0 : i32
      %dma_start3A_136 = tpu.memref_slice %arg14[%add3A_88, %dma_start3A_135] : memref<10000x128xf32, #tpu.memory_space<vmem_shared>> -> memref<25x128xf32, #tpu.memory_space<vmem_shared>>
      %dma_start3A_137 = arith.constant 0 : i32
      %dma_start3A_138 = arith.constant 0 : i32
      %dma_start3A_139 = tpu.memref_slice %arg12[%dma_start3A_137, %dma_start3A_138] : memref<80x128xf32, #tpu.memory_space<vmem>> -> memref<25x128xf32, #tpu.memory_space<vmem>>
      tpu.enqueue_dma source(%dma_start3A_139 : memref<25x128xf32, #tpu.memory_space<vmem>>) target(%dma_start3A_136 : memref<25x128xf32, #tpu.memory_space<vmem_shared>>) target_semaphore(%run_scoped3A : memref<!tpu.dma_semaphore, #tpu.memory_space<semaphore_mem>>)
      %dma_wait3A = arith.constant 0 : i32
      %dma_wait3A_140 = arith.constant 0 : i32
      %dma_wait3A_141 = tpu.memref_slice %arg12[%dma_wait3A, %dma_wait3A_140] : memref<80x128xf32, #tpu.memory_space<vmem>> -> memref<25x128xf32, #tpu.memory_space<vmem>>
      %dma_wait3A_142 = arith.constant 0 : i32
      %dma_wait3A_143 = tpu.memref_slice %arg14[%add3A_88, %dma_wait3A_142] : memref<10000x128xf32, #tpu.memory_space<vmem_shared>> -> memref<25x128xf32, #tpu.memory_space<vmem_shared>>
      %dma_wait3A_144 = arith.constant 0 : i32
      %dma_wait3A_145 = tpu.memref_slice %arg14[%add3A_88, %dma_wait3A_144] : memref<10000x128xf32, #tpu.memory_space<vmem_shared>> -> memref<25x128xf32, #tpu.memory_space<vmem_shared>>
      %dma_wait3A_146 = arith.constant 0 : i32
      %dma_wait3A_147 = arith.constant 0 : i32
      %dma_wait3A_148 = tpu.memref_slice %arg12[%dma_wait3A_146, %dma_wait3A_147] : memref<80x128xf32, #tpu.memory_space<vmem>> -> memref<25x128xf32, #tpu.memory_space<vmem>>
      tpu.wait_dma2 semaphore(%run_scoped3A : memref<!tpu.dma_semaphore, #tpu.memory_space<semaphore_mem>>) src(%dma_wait3A_148 : memref<25x128xf32, #tpu.memory_space<vmem>>) dst(%dma_wait3A_145 : memref<25x128xf32, #tpu.memory_space<vmem_shared>>)
      tpu.yield
    }) : () -> ()
    %mul3A_89 = arith.constant 625 : i32
    %mul3A_90 = arith.muli %arg1, %mul3A_89 : i32
    %add3A_91 = arith.constant 500 : i32
    %add3A_92 = arith.addi %mul3A_90, %add3A_91 : i32
    "tpu.region"() ({
      %run_scoped3A = tpu.sem_alloc : memref<!tpu.dma_semaphore, #tpu.memory_space<semaphore_mem>>
      %dma_start3A_130 = arith.constant 0 : i32
      %dma_start3A_131 = arith.constant 0 : i32
      %dma_start3A_132 = tpu.memref_slice %arg12[%dma_start3A_130, %dma_start3A_131] : memref<80x128xf32, #tpu.memory_space<vmem>> -> memref<25x128xf32, #tpu.memory_space<vmem>>
      %dma_start3A_133 = arith.constant 0 : i32
      %dma_start3A_134 = tpu.memref_slice %arg14[%add3A_92, %dma_start3A_133] : memref<10000x128xf32, #tpu.memory_space<vmem_shared>> -> memref<25x128xf32, #tpu.memory_space<vmem_shared>>
      %dma_start3A_135 = arith.constant 0 : i32
      %dma_start3A_136 = tpu.memref_slice %arg14[%add3A_92, %dma_start3A_135] : memref<10000x128xf32, #tpu.memory_space<vmem_shared>> -> memref<25x128xf32, #tpu.memory_space<vmem_shared>>
      %dma_start3A_137 = arith.constant 0 : i32
      %dma_start3A_138 = arith.constant 0 : i32
      %dma_start3A_139 = tpu.memref_slice %arg12[%dma_start3A_137, %dma_start3A_138] : memref<80x128xf32, #tpu.memory_space<vmem>> -> memref<25x128xf32, #tpu.memory_space<vmem>>
      tpu.enqueue_dma source(%dma_start3A_139 : memref<25x128xf32, #tpu.memory_space<vmem>>) target(%dma_start3A_136 : memref<25x128xf32, #tpu.memory_space<vmem_shared>>) target_semaphore(%run_scoped3A : memref<!tpu.dma_semaphore, #tpu.memory_space<semaphore_mem>>)
      %dma_wait3A = arith.constant 0 : i32
      %dma_wait3A_140 = arith.constant 0 : i32
      %dma_wait3A_141 = tpu.memref_slice %arg12[%dma_wait3A, %dma_wait3A_140] : memref<80x128xf32, #tpu.memory_space<vmem>> -> memref<25x128xf32, #tpu.memory_space<vmem>>
      %dma_wait3A_142 = arith.constant 0 : i32
      %dma_wait3A_143 = tpu.memref_slice %arg14[%add3A_92, %dma_wait3A_142] : memref<10000x128xf32, #tpu.memory_space<vmem_shared>> -> memref<25x128xf32, #tpu.memory_space<vmem_shared>>
      %dma_wait3A_144 = arith.constant 0 : i32
      %dma_wait3A_145 = tpu.memref_slice %arg14[%add3A_92, %dma_wait3A_144] : memref<10000x128xf32, #tpu.memory_space<vmem_shared>> -> memref<25x128xf32, #tpu.memory_space<vmem_shared>>
      %dma_wait3A_146 = arith.constant 0 : i32
      %dma_wait3A_147 = arith.constant 0 : i32
      %dma_wait3A_148 = tpu.memref_slice %arg12[%dma_wait3A_146, %dma_wait3A_147] : memref<80x128xf32, #tpu.memory_space<vmem>> -> memref<25x128xf32, #tpu.memory_space<vmem>>
      tpu.wait_dma2 semaphore(%run_scoped3A : memref<!tpu.dma_semaphore, #tpu.memory_space<semaphore_mem>>) src(%dma_wait3A_148 : memref<25x128xf32, #tpu.memory_space<vmem>>) dst(%dma_wait3A_145 : memref<25x128xf32, #tpu.memory_space<vmem_shared>>)
      tpu.yield
    }) : () -> ()
    %mul3A_93 = arith.constant 625 : i32
    %mul3A_94 = arith.muli %arg1, %mul3A_93 : i32
    %add3A_95 = arith.constant 525 : i32
    %add3A_96 = arith.addi %mul3A_94, %add3A_95 : i32
    "tpu.region"() ({
      %run_scoped3A = tpu.sem_alloc : memref<!tpu.dma_semaphore, #tpu.memory_space<semaphore_mem>>
      %dma_start3A_130 = arith.constant 0 : i32
      %dma_start3A_131 = arith.constant 0 : i32
      %dma_start3A_132 = tpu.memref_slice %arg12[%dma_start3A_130, %dma_start3A_131] : memref<80x128xf32, #tpu.memory_space<vmem>> -> memref<25x128xf32, #tpu.memory_space<vmem>>
      %dma_start3A_133 = arith.constant 0 : i32
      %dma_start3A_134 = tpu.memref_slice %arg14[%add3A_96, %dma_start3A_133] : memref<10000x128xf32, #tpu.memory_space<vmem_shared>> -> memref<25x128xf32, #tpu.memory_space<vmem_shared>>
      %dma_start3A_135 = arith.constant 0 : i32
      %dma_start3A_136 = tpu.memref_slice %arg14[%add3A_96, %dma_start3A_135] : memref<10000x128xf32, #tpu.memory_space<vmem_shared>> -> memref<25x128xf32, #tpu.memory_space<vmem_shared>>
      %dma_start3A_137 = arith.constant 0 : i32
      %dma_start3A_138 = arith.constant 0 : i32
      %dma_start3A_139 = tpu.memref_slice %arg12[%dma_start3A_137, %dma_start3A_138] : memref<80x128xf32, #tpu.memory_space<vmem>> -> memref<25x128xf32, #tpu.memory_space<vmem>>
      tpu.enqueue_dma source(%dma_start3A_139 : memref<25x128xf32, #tpu.memory_space<vmem>>) target(%dma_start3A_136 : memref<25x128xf32, #tpu.memory_space<vmem_shared>>) target_semaphore(%run_scoped3A : memref<!tpu.dma_semaphore, #tpu.memory_space<semaphore_mem>>)
      %dma_wait3A = arith.constant 0 : i32
      %dma_wait3A_140 = arith.constant 0 : i32
      %dma_wait3A_141 = tpu.memref_slice %arg12[%dma_wait3A, %dma_wait3A_140] : memref<80x128xf32, #tpu.memory_space<vmem>> -> memref<25x128xf32, #tpu.memory_space<vmem>>
      %dma_wait3A_142 = arith.constant 0 : i32
      %dma_wait3A_143 = tpu.memref_slice %arg14[%add3A_96, %dma_wait3A_142] : memref<10000x128xf32, #tpu.memory_space<vmem_shared>> -> memref<25x128xf32, #tpu.memory_space<vmem_shared>>
      %dma_wait3A_144 = arith.constant 0 : i32
      %dma_wait3A_145 = tpu.memref_slice %arg14[%add3A_96, %dma_wait3A_144] : memref<10000x128xf32, #tpu.memory_space<vmem_shared>> -> memref<25x128xf32, #tpu.memory_space<vmem_shared>>
      %dma_wait3A_146 = arith.constant 0 : i32
      %dma_wait3A_147 = arith.constant 0 : i32
      %dma_wait3A_148 = tpu.memref_slice %arg12[%dma_wait3A_146, %dma_wait3A_147] : memref<80x128xf32, #tpu.memory_space<vmem>> -> memref<25x128xf32, #tpu.memory_space<vmem>>
      tpu.wait_dma2 semaphore(%run_scoped3A : memref<!tpu.dma_semaphore, #tpu.memory_space<semaphore_mem>>) src(%dma_wait3A_148 : memref<25x128xf32, #tpu.memory_space<vmem>>) dst(%dma_wait3A_145 : memref<25x128xf32, #tpu.memory_space<vmem_shared>>)
      tpu.yield
    }) : () -> ()
    %mul3A_97 = arith.constant 625 : i32
    %mul3A_98 = arith.muli %arg1, %mul3A_97 : i32
    %add3A_99 = arith.constant 550 : i32
    %add3A_100 = arith.addi %mul3A_98, %add3A_99 : i32
    "tpu.region"() ({
      %run_scoped3A = tpu.sem_alloc : memref<!tpu.dma_semaphore, #tpu.memory_space<semaphore_mem>>
      %dma_start3A_130 = arith.constant 0 : i32
      %dma_start3A_131 = arith.constant 0 : i32
      %dma_start3A_132 = tpu.memref_slice %arg12[%dma_start3A_130, %dma_start3A_131] : memref<80x128xf32, #tpu.memory_space<vmem>> -> memref<25x128xf32, #tpu.memory_space<vmem>>
      %dma_start3A_133 = arith.constant 0 : i32
      %dma_start3A_134 = tpu.memref_slice %arg14[%add3A_100, %dma_start3A_133] : memref<10000x128xf32, #tpu.memory_space<vmem_shared>> -> memref<25x128xf32, #tpu.memory_space<vmem_shared>>
      %dma_start3A_135 = arith.constant 0 : i32
      %dma_start3A_136 = tpu.memref_slice %arg14[%add3A_100, %dma_start3A_135] : memref<10000x128xf32, #tpu.memory_space<vmem_shared>> -> memref<25x128xf32, #tpu.memory_space<vmem_shared>>
      %dma_start3A_137 = arith.constant 0 : i32
      %dma_start3A_138 = arith.constant 0 : i32
      %dma_start3A_139 = tpu.memref_slice %arg12[%dma_start3A_137, %dma_start3A_138] : memref<80x128xf32, #tpu.memory_space<vmem>> -> memref<25x128xf32, #tpu.memory_space<vmem>>
      tpu.enqueue_dma source(%dma_start3A_139 : memref<25x128xf32, #tpu.memory_space<vmem>>) target(%dma_start3A_136 : memref<25x128xf32, #tpu.memory_space<vmem_shared>>) target_semaphore(%run_scoped3A : memref<!tpu.dma_semaphore, #tpu.memory_space<semaphore_mem>>)
      %dma_wait3A = arith.constant 0 : i32
      %dma_wait3A_140 = arith.constant 0 : i32
      %dma_wait3A_141 = tpu.memref_slice %arg12[%dma_wait3A, %dma_wait3A_140] : memref<80x128xf32, #tpu.memory_space<vmem>> -> memref<25x128xf32, #tpu.memory_space<vmem>>
      %dma_wait3A_142 = arith.constant 0 : i32
      %dma_wait3A_143 = tpu.memref_slice %arg14[%add3A_100, %dma_wait3A_142] : memref<10000x128xf32, #tpu.memory_space<vmem_shared>> -> memref<25x128xf32, #tpu.memory_space<vmem_shared>>
      %dma_wait3A_144 = arith.constant 0 : i32
      %dma_wait3A_145 = tpu.memref_slice %arg14[%add3A_100, %dma_wait3A_144] : memref<10000x128xf32, #tpu.memory_space<vmem_shared>> -> memref<25x128xf32, #tpu.memory_space<vmem_shared>>
      %dma_wait3A_146 = arith.constant 0 : i32
      %dma_wait3A_147 = arith.constant 0 : i32
      %dma_wait3A_148 = tpu.memref_slice %arg12[%dma_wait3A_146, %dma_wait3A_147] : memref<80x128xf32, #tpu.memory_space<vmem>> -> memref<25x128xf32, #tpu.memory_space<vmem>>
      tpu.wait_dma2 semaphore(%run_scoped3A : memref<!tpu.dma_semaphore, #tpu.memory_space<semaphore_mem>>) src(%dma_wait3A_148 : memref<25x128xf32, #tpu.memory_space<vmem>>) dst(%dma_wait3A_145 : memref<25x128xf32, #tpu.memory_space<vmem_shared>>)
      tpu.yield
    }) : () -> ()
    %mul3A_101 = arith.constant 625 : i32
    %mul3A_102 = arith.muli %arg1, %mul3A_101 : i32
    %add3A_103 = arith.constant 575 : i32
    %add3A_104 = arith.addi %mul3A_102, %add3A_103 : i32
    "tpu.region"() ({
      %run_scoped3A = tpu.sem_alloc : memref<!tpu.dma_semaphore, #tpu.memory_space<semaphore_mem>>
      %dma_start3A_130 = arith.constant 0 : i32
      %dma_start3A_131 = arith.constant 0 : i32
      %dma_start3A_132 = tpu.memref_slice %arg12[%dma_start3A_130, %dma_start3A_131] : memref<80x128xf32, #tpu.memory_space<vmem>> -> memref<25x128xf32, #tpu.memory_space<vmem>>
      %dma_start3A_133 = arith.constant 0 : i32
      %dma_start3A_134 = tpu.memref_slice %arg14[%add3A_104, %dma_start3A_133] : memref<10000x128xf32, #tpu.memory_space<vmem_shared>> -> memref<25x128xf32, #tpu.memory_space<vmem_shared>>
      %dma_start3A_135 = arith.constant 0 : i32
      %dma_start3A_136 = tpu.memref_slice %arg14[%add3A_104, %dma_start3A_135] : memref<10000x128xf32, #tpu.memory_space<vmem_shared>> -> memref<25x128xf32, #tpu.memory_space<vmem_shared>>
      %dma_start3A_137 = arith.constant 0 : i32
      %dma_start3A_138 = arith.constant 0 : i32
      %dma_start3A_139 = tpu.memref_slice %arg12[%dma_start3A_137, %dma_start3A_138] : memref<80x128xf32, #tpu.memory_space<vmem>> -> memref<25x128xf32, #tpu.memory_space<vmem>>
      tpu.enqueue_dma source(%dma_start3A_139 : memref<25x128xf32, #tpu.memory_space<vmem>>) target(%dma_start3A_136 : memref<25x128xf32, #tpu.memory_space<vmem_shared>>) target_semaphore(%run_scoped3A : memref<!tpu.dma_semaphore, #tpu.memory_space<semaphore_mem>>)
      %dma_wait3A = arith.constant 0 : i32
      %dma_wait3A_140 = arith.constant 0 : i32
      %dma_wait3A_141 = tpu.memref_slice %arg12[%dma_wait3A, %dma_wait3A_140] : memref<80x128xf32, #tpu.memory_space<vmem>> -> memref<25x128xf32, #tpu.memory_space<vmem>>
      %dma_wait3A_142 = arith.constant 0 : i32
      %dma_wait3A_143 = tpu.memref_slice %arg14[%add3A_104, %dma_wait3A_142] : memref<10000x128xf32, #tpu.memory_space<vmem_shared>> -> memref<25x128xf32, #tpu.memory_space<vmem_shared>>
      %dma_wait3A_144 = arith.constant 0 : i32
      %dma_wait3A_145 = tpu.memref_slice %arg14[%add3A_104, %dma_wait3A_144] : memref<10000x128xf32, #tpu.memory_space<vmem_shared>> -> memref<25x128xf32, #tpu.memory_space<vmem_shared>>
      %dma_wait3A_146 = arith.constant 0 : i32
      %dma_wait3A_147 = arith.constant 0 : i32
      %dma_wait3A_148 = tpu.memref_slice %arg12[%dma_wait3A_146, %dma_wait3A_147] : memref<80x128xf32, #tpu.memory_space<vmem>> -> memref<25x128xf32, #tpu.memory_space<vmem>>
      tpu.wait_dma2 semaphore(%run_scoped3A : memref<!tpu.dma_semaphore, #tpu.memory_space<semaphore_mem>>) src(%dma_wait3A_148 : memref<25x128xf32, #tpu.memory_space<vmem>>) dst(%dma_wait3A_145 : memref<25x128xf32, #tpu.memory_space<vmem_shared>>)
      tpu.yield
    }) : () -> ()
    %mul3A_105 = arith.constant 625 : i32
    %mul3A_106 = arith.muli %arg1, %mul3A_105 : i32
    %add3A_107 = arith.constant 600 : i32
    %add3A_108 = arith.addi %mul3A_106, %add3A_107 : i32
    "tpu.region"() ({
      %run_scoped3A = tpu.sem_alloc : memref<!tpu.dma_semaphore, #tpu.memory_space<semaphore_mem>>
      %dma_start3A_130 = arith.constant 0 : i32
      %dma_start3A_131 = arith.constant 0 : i32
      %dma_start3A_132 = tpu.memref_slice %arg12[%dma_start3A_130, %dma_start3A_131] : memref<80x128xf32, #tpu.memory_space<vmem>> -> memref<25x128xf32, #tpu.memory_space<vmem>>
      %dma_start3A_133 = arith.constant 0 : i32
      %dma_start3A_134 = tpu.memref_slice %arg14[%add3A_108, %dma_start3A_133] : memref<10000x128xf32, #tpu.memory_space<vmem_shared>> -> memref<25x128xf32, #tpu.memory_space<vmem_shared>>
      %dma_start3A_135 = arith.constant 0 : i32
      %dma_start3A_136 = tpu.memref_slice %arg14[%add3A_108, %dma_start3A_135] : memref<10000x128xf32, #tpu.memory_space<vmem_shared>> -> memref<25x128xf32, #tpu.memory_space<vmem_shared>>
      %dma_start3A_137 = arith.constant 0 : i32
      %dma_start3A_138 = arith.constant 0 : i32
      %dma_start3A_139 = tpu.memref_slice %arg12[%dma_start3A_137, %dma_start3A_138] : memref<80x128xf32, #tpu.memory_space<vmem>> -> memref<25x128xf32, #tpu.memory_space<vmem>>
      tpu.enqueue_dma source(%dma_start3A_139 : memref<25x128xf32, #tpu.memory_space<vmem>>) target(%dma_start3A_136 : memref<25x128xf32, #tpu.memory_space<vmem_shared>>) target_semaphore(%run_scoped3A : memref<!tpu.dma_semaphore, #tpu.memory_space<semaphore_mem>>)
      %dma_wait3A = arith.constant 0 : i32
      %dma_wait3A_140 = arith.constant 0 : i32
      %dma_wait3A_141 = tpu.memref_slice %arg12[%dma_wait3A, %dma_wait3A_140] : memref<80x128xf32, #tpu.memory_space<vmem>> -> memref<25x128xf32, #tpu.memory_space<vmem>>
      %dma_wait3A_142 = arith.constant 0 : i32
      %dma_wait3A_143 = tpu.memref_slice %arg14[%add3A_108, %dma_wait3A_142] : memref<10000x128xf32, #tpu.memory_space<vmem_shared>> -> memref<25x128xf32, #tpu.memory_space<vmem_shared>>
      %dma_wait3A_144 = arith.constant 0 : i32
      %dma_wait3A_145 = tpu.memref_slice %arg14[%add3A_108, %dma_wait3A_144] : memref<10000x128xf32, #tpu.memory_space<vmem_shared>> -> memref<25x128xf32, #tpu.memory_space<vmem_shared>>
      %dma_wait3A_146 = arith.constant 0 : i32
      %dma_wait3A_147 = arith.constant 0 : i32
      %dma_wait3A_148 = tpu.memref_slice %arg12[%dma_wait3A_146, %dma_wait3A_147] : memref<80x128xf32, #tpu.memory_space<vmem>> -> memref<25x128xf32, #tpu.memory_space<vmem>>
      tpu.wait_dma2 semaphore(%run_scoped3A : memref<!tpu.dma_semaphore, #tpu.memory_space<semaphore_mem>>) src(%dma_wait3A_148 : memref<25x128xf32, #tpu.memory_space<vmem>>) dst(%dma_wait3A_145 : memref<25x128xf32, #tpu.memory_space<vmem_shared>>)
      tpu.yield
    }) : () -> ()
    %broadcast_in_dim3A_109 = arith.constant 16383 : i32
    %broadcast_in_dim3A_110 = vector.broadcast %broadcast_in_dim3A_109 : i32 to vector<16xi32>
    %scan3A_111 = arith.constant 0 : i32
    %scan3A_112 = arith.constant 0 : i32
    %scan3A_113 = arith.constant 5 : i32
    %scan3A_114 = arith.addi %scan3A_112, %scan3A_113 : i32
    %scan3A_115 = arith.constant 1 : i32
    scf.for %scan3A_130 = %scan3A_112 to %scan3A_114 step %scan3A_115  : i32 {
      %mul3A_131 = arith.constant 16 : i32
      %mul3A_132 = arith.muli %scan3A_130, %mul3A_131 : i32
      %add3A_133 = arith.constant 0 : i32
      %add3A_134 = arith.addi %add3A_133, %mul3A_132 : i32
      %get3A = arith.index_cast %add3A_134 : i32 to index
      %get3A_135 = tpu.vector_load %arg6[%get3A] {strides = array<i32>} : memref<10080xi32, #tpu.memory_space<vmem>>, vector<16xi32>,
      %get3A_136 = vector.shape_cast %get3A_135 : vector<16xi32> to vector<16xi32>
      %mul3A_137 = arith.constant 16 : i32
      %mul3A_138 = arith.muli %scan3A_130, %mul3A_137 : i32
      %iota3A = tpu.iota {dimensions = array<i32: 0>} : vector<16xi32>
      %mul3A_139 = arith.constant 16 : i32
      %mul3A_140 = arith.muli %scan3A_130, %mul3A_139 : i32
      %add3A_141 = arith.constant 0 : i32
      %add3A_142 = arith.addi %add3A_141, %mul3A_140 : i32
      %add3A_143 = vector.broadcast %add3A_142 : i32 to vector<16xi32>
      %add3A_144 = arith.addi %iota3A, %add3A_143 : vector<16xi32>
      %broadcast_in_dim3A_145 = arith.constant 8191 : i32
      %broadcast_in_dim3A_146 = vector.broadcast %broadcast_in_dim3A_145 : i32 to vector<16xi32>
      %and3A = arith.andi %add3A_144, %broadcast_in_dim3A_146 : vector<16xi32>
      %swap3A = arith.index_cast %mul3A_138 : i32 to index
      %swap3A_147 = tpu.vector_load %arg7[%swap3A] {strides = array<i32>} : memref<80xi32, #tpu.memory_space<vmem>>, vector<16xi32>,
      %swap3A_148 = vector.shape_cast %swap3A_147 : vector<16xi32> to vector<16xi32>
      %swap3A_149 = vector.shape_cast %and3A : vector<16xi32> to vector<16xi32>
      tpu.vector_store %arg7[%swap3A], %swap3A_149 {strides = array<i32>} : memref<80xi32, #tpu.memory_space<vmem>>, vector<16xi32>,
      %and3A_150 = arith.andi %get3A_136, %broadcast_in_dim3A_110 : vector<16xi32>
      %swap3A_151 = arith.index_cast %mul3A_138 : i32 to index
      %swap3A_152 = tpu.vector_load %arg9[%swap3A_151] {strides = array<i32>} : memref<80xi32, #tpu.memory_space<vmem>>, vector<16xi32>,
      %swap3A_153 = vector.shape_cast %swap3A_152 : vector<16xi32> to vector<16xi32>
      %swap3A_154 = vector.shape_cast %and3A_150 : vector<16xi32> to vector<16xi32>
      tpu.vector_store %arg9[%swap3A_151], %swap3A_154 {strides = array<i32>} : memref<80xi32, #tpu.memory_space<vmem>>, vector<16xi32>,
    }
    %scan3A_116 = arith.constant 5 : i32
    %barrier3A = arith.constant 0 : index
    tpu.barrier barrier_id(%barrier3A)
    %dma_start3A = arith.constant 0 : i32
    %dma_start3A_117 = arith.constant 0 : i32
    %dma_start3A_118 = tpu.memref_slice %arg2[%dma_start3A, %dma_start3A_117] : memref<10000x128xf32, #tpu.memory_space<hbm>> -> memref<10000x128xf32, #tpu.memory_space<hbm>>
    tpu.enqueue_indirect_dma source(%dma_start3A_118 : memref<10000x128xf32, #tpu.memory_space<hbm>>) target(%arg12 : memref<80x128xf32, #tpu.memory_space<vmem>>) offsets(%arg7 : memref<80xi32, #tpu.memory_space<vmem>>) semaphore(%arg15 : memref<!tpu.dma_semaphore, #tpu.memory_space<semaphore_mem>>)
    %scan3A_119 = arith.constant 0 : i32
    %scan3A_120 = arith.constant 0 : i32
    %scan3A_121 = arith.constant 63 : i32
    %scan3A_122 = arith.addi %scan3A_120, %scan3A_121 : i32
    %scan3A_123 = arith.constant 1 : i32
    scf.for %scan3A_130 = %scan3A_120 to %scan3A_122 step %scan3A_123  : i32 {
      %mul3A_131 = arith.constant 2 : i32
      %mul3A_132 = arith.muli %mul3A_131, %scan3A_130 : i32
      %add3A_133 = arith.constant 1 : i32
      %add3A_134 = arith.addi %mul3A_132, %add3A_133 : i32
      %dma_wait3A = arith.constant 0 : i32
      %dma_wait3A_135 = arith.constant 0 : i32
      %dma_wait3A_136 = tpu.memref_slice %arg2[%dma_wait3A, %dma_wait3A_135] : memref<10000x128xf32, #tpu.memory_space<hbm>> -> memref<10000x128xf32, #tpu.memory_space<hbm>>
      tpu.wait_indirect_dma semaphore(%arg15 : memref<!tpu.dma_semaphore, #tpu.memory_space<semaphore_mem>>) src(%dma_wait3A_136 : memref<10000x128xf32, #tpu.memory_space<hbm>>) dst(%arg12 : memref<80x128xf32, #tpu.memory_space<vmem>>)
      %broadcast_in_dim3A_137 = arith.constant 16383 : i32
      %broadcast_in_dim3A_138 = vector.broadcast %broadcast_in_dim3A_137 : i32 to vector<16xi32>
      %scan3A_139 = arith.constant 0 : i32
      %scan3A_140 = arith.constant 0 : i32
      %scan3A_141 = arith.constant 5 : i32
      %scan3A_142 = arith.addi %scan3A_140, %scan3A_141 : i32
      %scan3A_143 = arith.constant 1 : i32
      scf.for %scan3A_156 = %scan3A_140 to %scan3A_142 step %scan3A_143  : i32 {
        %mul3A_157 = arith.constant 80 : i32
        %mul3A_158 = arith.muli %add3A_134, %mul3A_157 : i32
        %mul3A_159 = arith.constant 16 : i32
        %mul3A_160 = arith.muli %scan3A_156, %mul3A_159 : i32
        %add3A_161 = arith.addi %mul3A_158, %mul3A_160 : i32
        %get3A = arith.index_cast %add3A_161 : i32 to index
        %get3A_162 = tpu.vector_load %arg6[%get3A] {strides = array<i32>} : memref<10080xi32, #tpu.memory_space<vmem>>, vector<16xi32>,
        %get3A_163 = vector.shape_cast %get3A_162 : vector<16xi32> to vector<16xi32>
        %mul3A_164 = arith.constant 16 : i32
        %mul3A_165 = arith.muli %scan3A_156, %mul3A_164 : i32
        %iota3A = tpu.iota {dimensions = array<i32: 0>} : vector<16xi32>
        %mul3A_166 = arith.constant 80 : i32
        %mul3A_167 = arith.muli %add3A_134, %mul3A_166 : i32
        %mul3A_168 = arith.constant 16 : i32
        %mul3A_169 = arith.muli %scan3A_156, %mul3A_168 : i32
        %add3A_170 = arith.addi %mul3A_167, %mul3A_169 : i32
        %add3A_171 = vector.broadcast %add3A_170 : i32 to vector<16xi32>
        %add3A_172 = arith.addi %iota3A, %add3A_171 : vector<16xi32>
        %broadcast_in_dim3A_173 = arith.constant 8191 : i32
        %broadcast_in_dim3A_174 = vector.broadcast %broadcast_in_dim3A_173 : i32 to vector<16xi32>
        %and3A = arith.andi %add3A_172, %broadcast_in_dim3A_174 : vector<16xi32>
        %swap3A = arith.index_cast %mul3A_165 : i32 to index
        %swap3A_175 = tpu.vector_load %arg8[%swap3A] {strides = array<i32>} : memref<80xi32, #tpu.memory_space<vmem>>, vector<16xi32>,
        %swap3A_176 = vector.shape_cast %swap3A_175 : vector<16xi32> to vector<16xi32>
        %swap3A_177 = vector.shape_cast %and3A : vector<16xi32> to vector<16xi32>
        tpu.vector_store %arg8[%swap3A], %swap3A_177 {strides = array<i32>} : memref<80xi32, #tpu.memory_space<vmem>>, vector<16xi32>,
        %and3A_178 = arith.andi %get3A_163, %broadcast_in_dim3A_138 : vector<16xi32>
        %swap3A_179 = arith.index_cast %mul3A_165 : i32 to index
        %swap3A_180 = tpu.vector_load %arg10[%swap3A_179] {strides = array<i32>} : memref<80xi32, #tpu.memory_space<vmem>>, vector<16xi32>,
        %swap3A_181 = vector.shape_cast %swap3A_180 : vector<16xi32> to vector<16xi32>
        %swap3A_182 = vector.shape_cast %and3A_178 : vector<16xi32> to vector<16xi32>
        tpu.vector_store %arg10[%swap3A_179], %swap3A_182 {strides = array<i32>} : memref<80xi32, #tpu.memory_space<vmem>>, vector<16xi32>,
      }
      %scan3A_144 = arith.constant 5 : i32
      %dma_start3A_145 = arith.constant 0 : i32
      %dma_start3A_146 = arith.constant 0 : i32
      %dma_start3A_147 = tpu.memref_slice %arg2[%dma_start3A_145, %dma_start3A_146] : memref<10000x128xf32, #tpu.memory_space<hbm>> -> memref<10000x128xf32, #tpu.memory_space<hbm>>
      tpu.enqueue_indirect_dma source(%dma_start3A_147 : memref<10000x128xf32, #tpu.memory_space<hbm>>) target(%arg13 : memref<80x128xf32, #tpu.memory_space<vmem>>) offsets(%arg8 : memref<80xi32, #tpu.memory_space<vmem>>) semaphore(%arg16 : memref<!tpu.dma_semaphore, #tpu.memory_space<semaphore_mem>>)
      %dma_wait3A_148 = arith.constant 0 : i32
      %dma_wait3A_149 = arith.constant 0 : i32
      %dma_wait3A_150 = tpu.memref_slice %arg2[%dma_wait3A_148, %dma_wait3A_149] : memref<10000x128xf32, #tpu.memory_space<hbm>> -> memref<10000x128xf32, #tpu.memory_space<hbm>>
      tpu.wait_indirect_dma semaphore(%arg16 : memref<!tpu.dma_semaphore, #tpu.memory_space<semaphore_mem>>) src(%dma_wait3A_150 : memref<10000x128xf32, #tpu.memory_space<hbm>>) dst(%arg13 : memref<80x128xf32, #tpu.memory_space<vmem>>)
      %lt3A_151 = arith.constant 62 : i32
      %lt3A_152 = arith.cmpi slt, %scan3A_130, %lt3A_151 : i32
      %convert_element_type3A_153 = arith.extui %lt3A_152 : i1 to i32
      %cond3A_154 = arith.constant 0 : i32
      %cond3A_155 = arith.cmpi ne, %convert_element_type3A_153, %cond3A_154 : i32
      scf.if %cond3A_155 {
        %add3A_156 = arith.constant 2 : i32
        %add3A_157 = arith.addi %mul3A_132, %add3A_156 : i32
        %broadcast_in_dim3A_158 = arith.constant 16383 : i32
        %broadcast_in_dim3A_159 = vector.broadcast %broadcast_in_dim3A_158 : i32 to vector<16xi32>
        %scan3A_160 = arith.constant 0 : i32
        %scan3A_161 = arith.constant 0 : i32
        %scan3A_162 = arith.constant 5 : i32
        %scan3A_163 = arith.addi %scan3A_161, %scan3A_162 : i32
        %scan3A_164 = arith.constant 1 : i32
        scf.for %scan3A_169 = %scan3A_161 to %scan3A_163 step %scan3A_164  : i32 {
          %mul3A_170 = arith.constant 80 : i32
          %mul3A_171 = arith.muli %add3A_157, %mul3A_170 : i32
          %mul3A_172 = arith.constant 16 : i32
          %mul3A_173 = arith.muli %scan3A_169, %mul3A_172 : i32
          %add3A_174 = arith.addi %mul3A_171, %mul3A_173 : i32
          %get3A = arith.index_cast %add3A_174 : i32 to index
          %get3A_175 = tpu.vector_load %arg6[%get3A] {strides = array<i32>} : memref<10080xi32, #tpu.memory_space<vmem>>, vector<16xi32>,
          %get3A_176 = vector.shape_cast %get3A_175 : vector<16xi32> to vector<16xi32>
          %mul3A_177 = arith.constant 16 : i32
          %mul3A_178 = arith.muli %scan3A_169, %mul3A_177 : i32
          %iota3A = tpu.iota {dimensions = array<i32: 0>} : vector<16xi32>
          %mul3A_179 = arith.constant 80 : i32
          %mul3A_180 = arith.muli %add3A_157, %mul3A_179 : i32
          %mul3A_181 = arith.constant 16 : i32
          %mul3A_182 = arith.muli %scan3A_169, %mul3A_181 : i32
          %add3A_183 = arith.addi %mul3A_180, %mul3A_182 : i32
          %add3A_184 = vector.broadcast %add3A_183 : i32 to vector<16xi32>
          %add3A_185 = arith.addi %iota3A, %add3A_184 : vector<16xi32>
          %broadcast_in_dim3A_186 = arith.constant 8191 : i32
          %broadcast_in_dim3A_187 = vector.broadcast %broadcast_in_dim3A_186 : i32 to vector<16xi32>
          %and3A = arith.andi %add3A_185, %broadcast_in_dim3A_187 : vector<16xi32>
          %swap3A = arith.index_cast %mul3A_178 : i32 to index
          %swap3A_188 = tpu.vector_load %arg7[%swap3A] {strides = array<i32>} : memref<80xi32, #tpu.memory_space<vmem>>, vector<16xi32>,
          %swap3A_189 = vector.shape_cast %swap3A_188 : vector<16xi32> to vector<16xi32>
          %swap3A_190 = vector.shape_cast %and3A : vector<16xi32> to vector<16xi32>
          tpu.vector_store %arg7[%swap3A], %swap3A_190 {strides = array<i32>} : memref<80xi32, #tpu.memory_space<vmem>>, vector<16xi32>,
          %and3A_191 = arith.andi %get3A_176, %broadcast_in_dim3A_159 : vector<16xi32>
          %swap3A_192 = arith.index_cast %mul3A_178 : i32 to index
          %swap3A_193 = tpu.vector_load %arg9[%swap3A_192] {strides = array<i32>} : memref<80xi32, #tpu.memory_space<vmem>>, vector<16xi32>,
          %swap3A_194 = vector.shape_cast %swap3A_193 : vector<16xi32> to vector<16xi32>
          %swap3A_195 = vector.shape_cast %and3A_191 : vector<16xi32> to vector<16xi32>
          tpu.vector_store %arg9[%swap3A_192], %swap3A_195 {strides = array<i32>} : memref<80xi32, #tpu.memory_space<vmem>>, vector<16xi32>,
        }
        %scan3A_165 = arith.constant 5 : i32
        %dma_start3A_166 = arith.constant 0 : i32
        %dma_start3A_167 = arith.constant 0 : i32
        %dma_start3A_168 = tpu.memref_slice %arg2[%dma_start3A_166, %dma_start3A_167] : memref<10000x128xf32, #tpu.memory_space<hbm>> -> memref<10000x128xf32, #tpu.memory_space<hbm>>
        tpu.enqueue_indirect_dma source(%dma_start3A_168 : memref<10000x128xf32, #tpu.memory_space<hbm>>) target(%arg12 : memref<80x128xf32, #tpu.memory_space<vmem>>) offsets(%arg7 : memref<80xi32, #tpu.memory_space<vmem>>) semaphore(%arg15 : memref<!tpu.dma_semaphore, #tpu.memory_space<semaphore_mem>>)
      } else {
      }
    }
    %scan3A_124 = arith.constant 63 : i32
    %barrier3A_125 = arith.constant 0 : index
    tpu.barrier barrier_id(%barrier3A_125)
    %mul3A_126 = arith.constant 624 : i32
    %mul3A_127 = arith.muli %arg1, %mul3A_126 : i32
    "tpu.region"() ({
      %run_scoped3A = tpu.sem_alloc : memref<!tpu.dma_semaphore, #tpu.memory_space<semaphore_mem>>
      %dma_start3A_130 = arith.constant 0 : i32
      %dma_start3A_131 = tpu.memref_slice %arg5[%arg0, %mul3A_127, %dma_start3A_130] : memref<2x10000x128xf32, #tpu.memory_space<hbm>> -> memref<1x624x128xf32, #tpu.memory_space<hbm>>
      %dma_start3A_132 = tpu.memref_squeeze %dma_start3A_131 : memref<1x624x128xf32, #tpu.memory_space<hbm>> -> memref<624x128xf32, #tpu.memory_space<hbm>>
      %dma_start3A_133 = arith.constant 0 : i32
      %dma_start3A_134 = tpu.memref_slice %arg14[%mul3A_127, %dma_start3A_133] : memref<10000x128xf32, #tpu.memory_space<vmem_shared>> -> memref<624x128xf32, #tpu.memory_space<vmem_shared>>
      tpu.enqueue_dma source(%dma_start3A_134 : memref<624x128xf32, #tpu.memory_space<vmem_shared>>) target(%dma_start3A_132 : memref<624x128xf32, #tpu.memory_space<hbm>>) target_semaphore(%run_scoped3A : memref<!tpu.dma_semaphore, #tpu.memory_space<semaphore_mem>>)
      %dma_wait3A = arith.constant 0 : i32
      %dma_wait3A_135 = tpu.memref_slice %arg5[%arg0, %mul3A_127, %dma_wait3A] : memref<2x10000x128xf32, #tpu.memory_space<hbm>> -> memref<1x624x128xf32, #tpu.memory_space<hbm>>
      %dma_wait3A_136 = tpu.memref_squeeze %dma_wait3A_135 : memref<1x624x128xf32, #tpu.memory_space<hbm>> -> memref<624x128xf32, #tpu.memory_space<hbm>>
      %dma_wait3A_137 = arith.constant 0 : i32
      %dma_wait3A_138 = tpu.memref_slice %arg14[%mul3A_127, %dma_wait3A_137] : memref<10000x128xf32, #tpu.memory_space<vmem_shared>> -> memref<624x128xf32, #tpu.memory_space<vmem_shared>>
      tpu.wait_dma2 semaphore(%run_scoped3A : memref<!tpu.dma_semaphore, #tpu.memory_space<semaphore_mem>>) src(%dma_wait3A_138 : memref<624x128xf32, #tpu.memory_space<vmem_shared>>) dst(%dma_wait3A_136 : memref<624x128xf32, #tpu.memory_space<hbm>>)
      tpu.yield
    }) : () -> ()
    %lt3A = arith.constant 2 : i32
    %lt3A_128 = arith.cmpi slt, %arg1, %lt3A : i32
    %convert_element_type3A = arith.extui %lt3A_128 : i1 to i32
    %cond3A = arith.constant 0 : i32
    %cond3A_129 = arith.cmpi ne, %convert_element_type3A, %cond3A : i32
    scf.if %cond3A_129 {
      %mul3A_130 = arith.constant 8 : i32
      %mul3A_131 = arith.muli %arg1, %mul3A_130 : i32
      %add3A_132 = arith.constant 9984 : i32
      %add3A_133 = arith.addi %add3A_132, %mul3A_131 : i32
      "tpu.region"() ({
        %run_scoped3A = tpu.sem_alloc : memref<!tpu.dma_semaphore, #tpu.memory_space<semaphore_mem>>
        %dma_start3A_134 = arith.constant 0 : i32
        %dma_start3A_135 = tpu.memref_slice %arg5[%arg0, %add3A_133, %dma_start3A_134] : memref<2x10000x128xf32, #tpu.memory_space<hbm>> -> memref<1x8x128xf32, #tpu.memory_space<hbm>>
        %dma_start3A_136 = tpu.memref_squeeze %dma_start3A_135 : memref<1x8x128xf32, #tpu.memory_space<hbm>> -> memref<8x128xf32, #tpu.memory_space<hbm>>
        %dma_start3A_137 = arith.constant 0 : i32
        %dma_start3A_138 = tpu.memref_slice %arg14[%add3A_133, %dma_start3A_137] : memref<10000x128xf32, #tpu.memory_space<vmem_shared>> -> memref<8x128xf32, #tpu.memory_space<vmem_shared>>
        tpu.enqueue_dma source(%dma_start3A_138 : memref<8x128xf32, #tpu.memory_space<vmem_shared>>) target(%dma_start3A_136 : memref<8x128xf32, #tpu.memory_space<hbm>>) target_semaphore(%run_scoped3A : memref<!tpu.dma_semaphore, #tpu.memory_space<semaphore_mem>>)
        %dma_wait3A = arith.constant 0 : i32
        %dma_wait3A_139 = tpu.memref_slice %arg5[%arg0, %add3A_133, %dma_wait3A] : memref<2x10000x128xf32, #tpu.memory_space<hbm>> -> memref<1x8x128xf32, #tpu.memory_space<hbm>>
        %dma_wait3A_140 = tpu.memref_squeeze %dma_wait3A_139 : memref<1x8x128xf32, #tpu.memory_space<hbm>> -> memref<8x128xf32, #tpu.memory_space<hbm>>
        %dma_wait3A_141 = arith.constant 0 : i32
        %dma_wait3A_142 = tpu.memref_slice %arg14[%add3A_133, %dma_wait3A_141] : memref<10000x128xf32, #tpu.memory_space<vmem_shared>> -> memref<8x128xf32, #tpu.memory_space<vmem_shared>>
        tpu.wait_dma2 semaphore(%run_scoped3A : memref<!tpu.dma_semaphore, #tpu.memory_space<semaphore_mem>>) src(%dma_wait3A_142 : memref<8x128xf32, #tpu.memory_space<vmem_shared>>) dst(%dma_wait3A_140 : memref<8x128xf32, #tpu.memory_space<hbm>>)
        tpu.yield
      }) : () -> ()
    } else {
    }
    return
  }
}

module attributes {stable_mosaic.version = 14 : i64} {
  func.func @body(%arg0: i32, %arg1: memref<2x1000x128xf32, #tpu.memory_space<vmem>>, %arg2: memref<128x128xf32, #tpu.memory_space<vmem>>, %arg3: memref<1000x128xf32, #tpu.memory_space<vmem>>) attributes {dimension_semantics = [#tpu.dimension_semantics<arbitrary>], iteration_bounds = array<i64: 10>, scalar_prefetch = 0 : i64, scratch_operands = 0 : i64, tpu.core_type = #tpu.core_type<tc>, window_params = [{transform_indices = @transform_0, window_bounds = array<i64: 2, 1000, 128>}, {pipeline_mode = #tpu.pipeline_mode<synchronous>, transform_indices = @transform_1, window_bounds = array<i64: 128, 128>}, {transform_indices = @transform_2, window_bounds = array<i64: 1000, 128>}]} {
    %get3A = arith.constant 0 : index
    %get3A_0 = arith.constant 0 : index
    %get3A_1 = arith.constant 0 : index
    %get3A_2 = vector.load %arg1[%get3A, %get3A_0, %get3A_1] : memref<2x1000x128xf32, #tpu.memory_space<vmem>>, vector<1x1000x128xf32>
    %get3A_3 = vector.shape_cast %get3A_2 : vector<1x1000x128xf32> to vector<1000x128xf32>
    %get3A_4 = arith.constant 1 : index
    %get3A_5 = arith.constant 0 : index
    %get3A_6 = arith.constant 0 : index
    %get3A_7 = vector.load %arg1[%get3A_4, %get3A_5, %get3A_6] : memref<2x1000x128xf32, #tpu.memory_space<vmem>>, vector<1x1000x128xf32>
    %get3A_8 = vector.shape_cast %get3A_7 : vector<1x1000x128xf32> to vector<1000x128xf32>
    %add3A = arith.addf %get3A_3, %get3A_8 : vector<1000x128xf32>
    %get3A_9 = arith.constant 0 : index
    %get3A_10 = arith.constant 0 : index
    %get3A_11 = vector.load %arg2[%get3A_9, %get3A_10] : memref<128x128xf32, #tpu.memory_space<vmem>>, vector<128x128xf32>
    %dot_general3A = arith.constant dense<0.000000e+00> : vector<1000x128xf32>
    %dot_general3A_12 = tpu.matmul %add3A, %get3A_11, %dot_general3A {dimension_numbers = #tpu.dot_dimension_numbers<[1], [0], [0], [1], [0, 0, 1, 1], [], []>, transpose_lhs_hint = false} : vector<1000x128xf32>, vector<128x128xf32>, vector<1000x128xf32> -> vector<1000x128xf32>
    %swap3A = arith.constant 0 : index
    %swap3A_13 = arith.constant 0 : index
    %swap3A_14 = vector.load %arg3[%swap3A, %swap3A_13] : memref<1000x128xf32, #tpu.memory_space<vmem>>, vector<1000x128xf32>
    tpu.vector_store %arg3[%swap3A, %swap3A_13], %dot_general3A_12 {strides = array<i32>} : memref<1000x128xf32, #tpu.memory_space<vmem>>, vector<1000x128xf32>,
    return
  }
  func.func @transform_0(%arg0: i32) -> (i32, i32, i32) {
    %c0_i32 = arith.constant 0 : i32
    %c0_i32_0 = arith.constant 0 : i32
    %c0_i32_1 = arith.constant 0 : i32
    return %c0_i32, %arg0, %c0_i32_0 : i32, i32, i32
  }
  func.func @transform_1(%arg0: i32) -> (i32, i32) {
    %c0_i32 = arith.constant 0 : i32
    %c0_i32_0 = arith.constant 0 : i32
    %c0_i32_1 = arith.constant 0 : i32
    return %c0_i32, %c0_i32_0 : i32, i32
  }
  func.func @transform_2(%arg0: i32) -> (i32, i32) {
    %c0_i32 = arith.constant 0 : i32
    %c0_i32_0 = arith.constant 0 : i32
    return %arg0, %c0_i32 : i32, i32
  }
}

</mosaic_0001>

<sc_bundles>
// kernel: kernel.4.cloned.1.call-start
scs
__scs_entry_jumppad:
0x0: {  	(pc) =	sbr.rel $0x88, $3  }
0x1: {  	(tag) =	ssettag $0x0;
	lr =	simm.s32 $0x1  }
0x2: {  	[smem:$0x3F9D] =	sst lr;
	_ =	strace $0xD0000000  }
0x3: {  	_ = 	snop  }
0x4: {  	_ = 	snop  }
0x5: {  	_ = 	snop  }
0x6: {  	_ = 	snop  }
0x7: {  	_ = 	snop  }
__scs_overlays_trampoline_lowered:
0x8: {  	[smem:$0x3FAC] =	sst s0  }
0x9: {  	[smem:$0x3FAD] =	sst s1  }
0xa: {  	[smem:$0x3FAE] =	sst s2  }
0xb: {  	[smem:$0x3FAF] =	sst s3  }
0xc: {  	[smem:$0x3FB0] =	sst s4  }
0xd: {  	[smem:$0x3FB1] =	sst s5  }
0xe: {  	[smem:$0x3FB2] =	sst s6  }
0xf: {  	[smem:$0x3FB3] =	sst s7  }
0x10: {  	[smem:$0x3FB4] =	sst s8  }
0x11: {  	[smem:$0x3FB5] =	sst s9;
	s0 =	simm.s32 @!p0 $0x0  }
0x12: {  	s1 =	sld [smem:$0x3F9B];
	s0 =	simm.s32 @p0 $0x1  }
0x13: {  	[smem:$0x3FB6] =	sst s0;
	s0 =	simm.s32 @!p1 $0x0  }
0x14: {  	s2 =	sld [smem:$0x3F9A];
	s0 =	simm.s32 @p1 $0x1  }
0x15: {  	[smem:$0x3FB7] =	sst s0;
	s0 =	simm.s32 @!p2 $0x0  }
0x16: {  	s3 =	sld [smem:$0x3FDB];
	s0 =	simm.s32 @p2 $0x1  }
0x17: {  	s4 =	simm.s32 $0x1BF5;
	[smem:$0x3FB9] =	sst s0  }
0x18: {  	s0 =	sld [smem:$0x3F9C];
	_ =	swait.ge [sflag:s4], $0x0  }
0x19: {  	s7 =	sld [smem:$0x3F9D]  }
0x1a: {  	s8 =	sadd.s32 $0xFFFFE003, lr  }
0x1b: {  	s9 =	sadd.s32 $0xFFFFFEF7, lr;
	s5 =	simm.s32 $0xFFFFFFFF;
	p2 =	slt.u32 s8, $0xFFFFF086  }
0x1c: {  	p1 =	slt.u32 s9, $0xF7A;
	s5 =	simm.s32 @!p2 $0x0  }
0x1d: {  	s5 =	simm.s32 @p1 $0x1;
	p0 =	seq.s32 s7, s2  }
0x1e: {  	s7 =	smul.u32 @!p0 $0xF7A, s2;
	p2 =	seq.s32 @!p0 s5, $0x0  }
0x1f: {  	s9 =	smul.u32 $0xF7A, s1;
	s8 =	simm.s32 @!p0 $0x1BF5;
	p2 =	por !p2, p0  }
0x20: {  	[sflag:s8] =	ssyncset.s32 @!p0 $0xFFFFF086;
	s6 =	sadd.s32 @!p0 s3, s7;
	s7 =	simm.s32 @!p0 $0x108  }
0x21: {  	s3 =	sadd.s32 s3, s9;
	s6 =	sadd.s32 @!p0 $0x88, s6;
	s7 =	simm.s32 @p2 $0x1082  }
0x22: {  	[simem:s7], [sflag:s8] =	dma.local @!p0 [hbm:s6], $0xF7A  }
0x23: {  	s9 =	sor.u32 $0xD0000000, s2;
	s6 =	simm.s32 $0x108;
	_ =	swait.ge @!p0 [sflag:s8], $0x0  }
0x24: {  	s3 =	sadd.s32 $0x88, s3;
	s6 =	simm.s32 @!p1 $0x1082;
	[sflag:s4] =	ssyncset.s32 $0xFFFFF086  }
0x25: {  	[simem:s6], [sflag:s4] =	dma.local [hbm:s3], $0xF7A  }
0x26: {  	[smem:$0x3F9D] =	sst s1;
	(tag) =	ssettag s2;
	_ =	strace s9  }
0x27: {  	s1 =	sld [smem:$0x3FAD]  }
0x28: {  	s2 =	sld [smem:$0x3FAE]  }
0x29: {  	s4 =	sld [smem:$0x3FB0]  }
0x2a: {  	p0 =	seq.s32 s5, $0x0;
	s5 =	sld [smem:$0x3FB1]  }
0x2b: {  	s6 =	sld [smem:$0x3FB2]  }
0x2c: {  	s7 =	sld [smem:$0x3FB3]  }
0x2d: {  	s3 =	simm.s32 $0x108;
	s8 =	sld [smem:$0x3FB4]  }
0x2e: {  	s3 =	simm.s32 @!p0 $0x1082;
	s9 =	sld [smem:$0x3FB5]  }
0x2f: {  	lr =	sadd.s32 s0, s3;
	s0 =	sld [smem:$0x3FAC]  }
0x30: {  	s3 =	sld [smem:$0x3FAF]  }
0x31: {  	[smem:$0x3FB8] =	sst s10  }
0x32: {  	s10 =	sld [smem:$0x3FB6];
	_ =	sdelay $0x3  }
0x33: {  	p0 =	seq.s32 s10, $0x1;
	s10 =	sld [smem:$0x3FB8];
	_ =	sdelay $0x3  }
0x34: {  	[smem:$0x3FB8] =	sst s10  }
0x35: {  	s10 =	sld [smem:$0x3FB7];
	_ =	sdelay $0x3  }
0x36: {  	p1 =	seq.s32 s10, $0x1;
	s10 =	sld [smem:$0x3FB8];
	_ =	sdelay $0x3  }
0x37: {  	[smem:$0x3FB8] =	sst s10  }
0x38: {  	s10 =	sld [smem:$0x3FB9]  }
0x39: {  	_ = 	snop;
	(pc) =	sbr.ind lr, $3  }
0x3a: {  	_ = 	snop  }
0x3b: {  	_ = 	snop  }
0x3c: {  	p2 =	seq.s32 s10, $0x1;
	s10 =	sld [smem:$0x3FB8]  }
0x3d: {  	_ =	shalt  }
0x3e: {  	_ =	shalt  }
0x3f: {  	_ =	shalt  }
0x40: {  	_ =	shalt  }
0x41: {  	_ =	shalt  }
0x42: {  	_ =	shalt  }
0x43: {  	_ =	shalt  }
0x44: {  	_ =	shalt  }
0x45: {  	_ =	shalt  }
0x46: {  	_ =	shalt  }
0x47: {  	_ =	shalt  }
0x48: {  	_ =	shalt  }
0x49: {  	_ =	shalt  }
0x4a: {  	_ =	shalt  }
0x4b: {  	_ =	shalt  }
0x4c: {  	_ =	shalt  }
0x4d: {  	_ =	shalt  }
0x4e: {  	_ =	shalt  }
0x4f: {  	_ =	shalt  }
0x50: {  	_ =	shalt  }
0x51: {  	_ =	shalt  }
0x52: {  	_ =	shalt  }
0x53: {  	_ =	shalt  }
0x54: {  	_ =	shalt  }
0x55: {  	_ =	shalt  }
0x56: {  	_ =	shalt  }
0x57: {  	_ =	shalt  }
0x58: {  	_ =	shalt  }
0x59: {  	_ =	shalt  }
0x5a: {  	_ =	shalt  }
0x5b: {  	_ =	shalt  }
0x5c: {  	_ =	shalt  }
0x5d: {  	_ =	shalt  }
0x5e: {  	_ =	shalt  }
0x5f: {  	_ =	shalt  }
0x60: {  	_ =	shalt  }
0x61: {  	_ =	shalt  }
0x62: {  	_ =	shalt  }
0x63: {  	_ =	shalt  }
0x64: {  	_ =	shalt  }
0x65: {  	_ =	shalt  }
0x66: {  	_ =	shalt  }
0x67: {  	_ =	shalt  }
0x68: {  	_ =	shalt  }
0x69: {  	_ =	shalt  }
0x6a: {  	_ =	shalt  }
0x6b: {  	_ =	shalt  }
0x6c: {  	_ =	shalt  }
0x6d: {  	_ =	shalt  }
0x6e: {  	_ =	shalt  }
0x6f: {  	_ =	shalt  }
0x70: {  	_ =	shalt  }
0x71: {  	_ =	shalt  }
0x72: {  	_ =	shalt  }
0x73: {  	_ =	shalt  }
0x74: {  	_ =	shalt  }
0x75: {  	_ =	shalt  }
0x76: {  	_ =	shalt  }
0x77: {  	_ =	shalt  }
0x78: {  	_ =	shalt  }
0x79: {  	_ =	shalt  }
0x7a: {  	_ =	shalt  }
0x7b: {  	_ =	shalt  }
0x7c: {  	_ =	shalt  }
0x7d: {  	_ =	shalt  }
0x7e: {  	_ =	shalt  }
0x7f: {  	_ =	shalt  }
0x80: {  	_ =	shalt  }
0x81: {  	_ =	shalt  }
0x82: {  	_ =	shalt  }
0x83: {  	_ =	shalt  }
0x84: {  	_ =	shalt  }
0x85: {  	_ =	shalt  }
0x86: {  	_ =	shalt  }
0x87: {  	_ =	shalt  }
.Lfunc_end0:
.L_simem_size_0:
called_computation_lowered:
.L_overlay_start_0:
0x88: {  	s2 =	sld [smem:$0x3FD9]  }
0x89: {  	s3 =	sld [smem:$0x3FFE];
	_ =	sdelay $0x1  }
0x8a: {  	s1 =	srdreg.scid  }
0x8b: {  	s0 =	sand.u32 $0x1, s1  }
0x8c: {  	s17 =	sshll.u32 s0, $0xA;
	s2 =	sadd.s32 s3, s2  }
0x8d: {  	s2 =	sadd.s32 s2, s17  }
0x8e: {  	[smem:$0x3FC4] =	sst s2  }
0x8f: {  	_ = 	snop  }
0x90: {  	s2 =	sld [smem:$0x3FC9]  }
0x91: {  	s18 =	sld [smem:$0x3FD0];
	(tm) =	ssettm $0x1  }
0x92: {  	s4 =	sld [smem:$0x3FFB];
	_ =	sdelay $0x3  }
0x93: {  	_ =	strace s4  }
0x94: {  	s4 =	sld [smem:$0x3FFC];
	_ =	sdelay $0x3  }
0x95: {  	_ =	strace s4  }
0x96: {  	s4 =	sld [smem:$0x3FFD];
	_ =	sdelay $0x3  }
0x97: {  	_ =	strace s4  }
0x98: {  	_ =	strace $0x8FFFFFFF  }
0x99: {  	s19 =	sld [smem:$0x3FDB];
	_ =	sdelay $0x1  }
0x9a: {  	s5 =	simm.s32 $_scs_section_size  }
0x9b: {  	s6 =	simm.s32 $_size__tile_overlayer_lowered;
	s7 =	simm.s32 $_tile_overlayer_lowered  }
0x9c: {  	s22 =	simm.s32 $0x1BFF;
	s21 =	sshll.u32 s7, $0x1;
	s4 =	sadd.s32 s5, s19  }
0x9d: {  	s8 =	simm.s32 $0x0;
	s20 =	sshll.u32 s6, $0x1;
	s6 =	sadd.s32 s21, s4  }
0x9e: {  	[timem:s8], [sflag:s22] =	dma.local [hbm:s6], s20  }
0x9f: {  	_ =	swait.ge [sflag:s22], s20  }
0xa0: {  	s5 =	ssub.s32 $0x0, s20;
	[sflag:s22] =	ssyncset.done $0x0  }
0xa1: {  	[sflag:s22] =	ssyncadd.s32 s5;
	_ =	sdelay $0x1  }
0xa2: {  	s23 =	simm.s32 $0x1B8B  }
0xa3: {  	_ =	swait.ge [sflag:s23], $0x1  }
0xa4: {  	[sflag:s23] =	ssyncset.done $0x0  }
0xa5: {  	s25 =	simm.s32 $0x1B8E;
	s24 =	sld [smem:$0x3FFE];
	[sflag:s23] =	ssyncadd.s32 $0xFFFFFFFF  }
0xa6: {  	s26 =	simm.s32 $execute0_lowered;
	[smem:$0x3FD2] =	sst s25  }
0xa7: {  	s6 =	sshll.u32 s26, $0x1;
	_ =	strace $0x80000046;
	[dreg:$0x1] =	wrdreg $0xFFFFFFFF  }
0xa8: {  	s28 =	simm.s32 $_size_execute0_lowered;
	s4 =	sadd.s32 s4, s6;
	[dreg:$0x0] =	wrdreg $0x0  }
0xa9: {  	s6 =	sshll.u32 s28, $0x1;
	[dreg:$0x2] =	wrdreg s4  }
0xaa: {  	[dreg:$0x3] =	wrdreg s6  }
0xab: {  	[dreg:$0x4] =	wrdreg $0xC0  }
0xac: {  	_ =	task [dreg:s8], $0x5FFFF  }
0xad: {  	[dreg:$0x1] =	wrdreg $0xFFFFFFFF  }
0xae: {  	[dreg:$0x0] =	wrdreg $0x60  }
0xaf: {  	[dreg:$0x2] =	wrdreg s2  }
0xb0: {  	[dreg:$0x3] =	wrdreg s18  }
0xb1: {  	[dreg:$0x4] =	wrdreg s24  }
0xb2: {  	[dreg:$0x5] =	wrdreg $0xA1000  }
0xb3: {  	[dreg:$0x6] =	wrdreg $0x9  }
0xb4: {  	_ =	task.clear_ibuf [dreg:s8], $0x7FFFF;
	_ =	strace $0x90000046  }
0xb5: {  	s29 =	simm.s32 $0x9;
	_ =	strace $0x80000048  }
0xb6: {  	_ =	swait.ge [sflag:s29], $0x1  }
0xb7: {  	[sflag:s29] =	ssyncadd.s32 $0xFFFFFFFF  }
0xb8: {  	_ =	strace $0x90000048  }
0xb9: {  	_ =	sfence  }
0xba: {  	s30 =	sld [smem:$0x0];
	_ =	sdelay $0x2  }
0xbb: {  	s31 =	sshll.u32 s1, $0xD;
	s1 =	sshrl.u32 s1, $0x2  }
0xbc: {  	s3 =	sand.u32 $0x4000, s31;
	s1 =	sadd.s32 s1, s30  }
0xbd: {  	s0 =	sor.u32 s3, s0;
	s1 =	sshll.u32 s1, $0x11  }
0xbe: {  	s0 =	sor.u32 s1, s0  }
0xbf: {  	s0 =	sadd.s32 $0x8F2B, s0  }
0xc0: {  	[sflag:s0] =	ssyncadd.remote.s32 $0x1  }
0xc1: {  	_ =	sfence.sel $0xFFFF  }
0xc2: {  	[dreg:$0x0] =	wrdreg $0xFFFFFFFF;
	(pc) =	sbr.abs _section_cstart, $3  }
0xc3: {  	[dreg:$0x1] =	wrdreg $0xFFFFFFFF  }
0xc4: {  	_ =	task.clear_ibuf [dreg:s8], $0x2FFFF;
	_ =	strace $0x9FFFFFFF  }
0xc5: {  	(tm) =	ssettm $0x7FFFFFFF  }
tec
execute0_lowered:
.L_overlay_start_1:
0x0: {  	(tag) =	ssettag $0x1  }
0x1: {  	s1 =	rddreg [dreg:$0x0]  }
0x2: {  	s0 =	rddreg [dreg:$0x1];
	s2 =	srdreg.scid  }
0x3: {  	s10 =	stileid.u32;
	s3 =	rddreg [dreg:$0x2]  }
0x4: {  	s5 =	rddreg [dreg:$0x3];
	s7 =	simm.s32 $0x0;
	s25 =	smul.u32 $0x4E200, s10  }
0x5: {  	s2 =	sand.u32 $0x1, s2;
	s4 =	sshll.u32 s10, $0x1;
	s19 =	smul.u32 $0x13800, s10  }
0x6: {  	[smem:$0x7FF] =	sst s7;
	s22 =	sshll.u32 s10, $0xA;
	s24 =	smul.u32 $0x4E000, s10  }
0x7: {  	p0 =	sgt.u32 s10, $0x1;
	s10 =	simm.s32 $0x2780;
	s4 =	sor.u32 s2, s4  }
0x8: {  	_ =	strace $0x80000047;
	s26 =	ssub.s32 $0x2, s2;
	s6 =	smul.u32 $0x4EC, s4  }
0x9: {  	s16 =	smul.u32 $0x138800, s2;
	s9 =	sshrl.u32 s26, $0x1;
	s4 =	sshrl.u32 s25, $0x2  }
0xa: {  	s7 =	ssub.s32 s26, s9;
	s4 =	sadd.s32 s4, s5;
	s0 =	sadd.s32 s0, s6  }
0xb: {  	s2 =	sadd.s32 s19, s16;
	s9 =	sadd.s32 $0xC80, s4;
	[dreg:$0x6] =	wrdreg s0  }
0xc: {  	s26 =	sshrl.u32 s24, $0x2;
	s11 =	sadd.s32 $0x1900, s4;
	[dreg:$0x7] =	wrdreg s9  }
0xd: {  	s8 =	sadd.s32 s6, s3;
	s12 =	sadd.s32 $0x2580, s4;
	[dreg:$0x8] =	wrdreg s11  }
0xe: {  	s3 =	sadd.s32 $0xA000, s3;
	s13 =	sadd.s32 $0x3200, s4;
	[dreg:$0x9] =	wrdreg s12  }
0xf: {  	s14 =	sadd.s32 $0x3E80, s4;
	s15 =	sadd.s32 $0x4B00, s4;
	[dreg:$0xa] =	wrdreg s13  }
0x10: {  	s17 =	sadd.s32 $0x5780, s4;
	s18 =	sadd.s32 $0x6400, s4;
	[dreg:$0xb] =	wrdreg s14  }
0x11: {  	s20 =	sadd.s32 $0x7080, s4;
	s21 =	sadd.s32 $0x7D00, s4;
	[dreg:$0xc] =	wrdreg s15  }
0x12: {  	s23 =	sadd.s32 $0x8980, s4;
	s6 =	sor.u32 $0x138000, s22;
	[dreg:$0xd] =	wrdreg s17  }
0x13: {  	s2 =	sshrl.u32 s2, $0x3;
	s25 =	sadd.s32 $0x9600, s4;
	[dreg:$0xe] =	wrdreg s18  }
0x14: {  	s22 =	sadd.s32 $0xAF00, s4;
	s28 =	sadd.s32 $0xC800, s4;
	[dreg:$0xf] =	wrdreg s20  }
0x15: {  	s29 =	sadd.s32 $0xD480, s4;
	s30 =	sadd.s32 $0xE100, s4;
	[dreg:$0x10] =	wrdreg s21  }
0x16: {  	s31 =	sadd.s32 $0xED80, s4;
	s8 =	sadd.s32 $0x200, s8;
	[dreg:$0x11] =	wrdreg s23  }
0x17: {  	s0 =	sadd.s32 s16, s6;
	[dreg:$0x12] =	wrdreg s25;
	s19 =	sadd.s32 s3, s2  }
0x18: {  	s21 =	sadd.s32 $0xA280, s4;
	s2 =	sadd.s32 s6, s5;
	s23 =	smax.u32 s7, $0x1  }
0x19: {  	s6 =	sadd.s32 $0x12C00, s4;
	s7 =	simm.s32 $0x3;
	s9 =	simm.s32 $0x50  }
0x1a: {  	s11 =	simm.s32 $0x1;
	s12 =	simm.s32 $0x2800;
	s13 =	simm.s32 $0x7900  }
.Ltmp0:
0x1b: {  	s14 =	simm.s32 $0x2;
	s15 =	simm.s32 $0x0;
	(pc) =	sbr.rel .LBB2_1-.Ltmp0, $4  }
0x1c: {  	[dreg:$0x5] =	wrdreg s8;
	s0 =	sshrl.u32 s0, $0x3;
	s25 =	sshrl.u32 @!p0 s2, $0x3  }
0x1d: {  	v0 =	vlaneseq.u32;
	s2 =	sadd.s32 $0xFA00, s4;
	s8 =	simm.s32 $0x5100;
	s20 =	sadd.s32 s3, s0  }
0x1e: {  	v1 =	vimm.f32 $0.0e+00;
	v2 =	vor.u32 $0x10, v0;
	s0 =	sadd.s32 s26, s5;
	s26 =	sadd.s32 $0xBB80, s4;
	s3 =	sadd.s32 $0x11300, s4  }
0x1f: {  	v3 =	vor.u32 $0x20, v0;
	v4 =	vor.u32 $0x30, v0;
	v5 =	vor.u32 $0x40, v0;
	s5 =	sadd.s32 $0x11F80, s4;
	s24 =	sshrl.u32 s0, $0x3;
	s0 =	sadd.s32 $0x10680, s4  }
.LBB2_6:
0x20: {  	s16 =	stileid.u32  }
0x21: {  	s16 =	sshll.u32 s16, $0x6  }
0x22: {  	[bflag:$0x0] =	sbarrier.arrive $0xFFFF;
	s16 =	sor.u32 $0x1C03, s16  }
0x23: {  	[hbm:s19], [sflag:s16] =	dma.local [spmem:s24], $0x2700  }
0x24: {  	_ =	swait.ge [sflag:s7], $0x2700  }
0x25: {  	s15 =	sadd.s32 $0x1, s15;
	[sflag:s7] =	ssyncset.done $0x0  }
0x26: {  	p1 =	sne.s32 s15, s23;
	[sflag:s7] =	ssyncadd.s32 $0xFFFFD900  }
0x27: {  	[hbm:s20], [sflag:s16] =	dma.local @!p0 [spmem:s25], $0x80  }
.Ltmp1:
0x28: {  	_ = 	snop;
	(pc) =	sbr.rel @!p1 .LBB2_7-.Ltmp1, $4  }
0x29: {  	s16 =	simm.s32 @!p0 $0x3  }
0x2a: {  	_ =	swait.ge @!p0 [sflag:s16], $0x80  }
0x2b: {  	[sflag:s16] =	ssyncset.done @!p0 $0x0  }
0x2c: {  	[sflag:s16] =	ssyncadd.s32 @!p0 $0xFFFFFF80  }
.LBB2_1:
0x2d: {  	s16 =	simm.s32 $0x0;
	s17 =	rddreg [dreg:$0x5];
	s18 =	simm.s32 $0x2980  }
0x2e: {  	[tilespmem:s18], [sflag:$0x3] =	stream.linear.gather [hbm4b:s17+s16], $0x2760, $0x38;
	[tilespmem:$0x1D980] =	vst v63  }
0x2f: {  	_ =	swait.ge [sflag:s7], $0x2760  }
0x30: {  	[sflag:s7] =	ssyncset.done $0x0  }
0x31: {  	s18 =	rddreg [dreg:$0x6];
	[sflag:s7] =	ssyncadd.s32 $0xFFFFD8A0  }
0x32: {  	[tilespmem:s16], [sflag:$0x3] =	stream.linear.gather [hbm4b:s18+s16], $0x2760, $0x38;
	[tilespmem:$0x1D980] =	vst v63  }
0x33: {  	_ =	swait.ge [sflag:s7], $0x2760  }
0x34: {  	[sflag:s7] =	ssyncset.done $0x0  }
0x35: {  	s17 =	simm.s32 $0x200;
	s16 =	simm.s32 $0x0;
	[sflag:s7] =	ssyncadd.s32 $0xFFFFD8A0  }
.LBB2_2:
0x36: {  	p1 =	sne.s32 s17, $0x3000;
	[tilespmem:s16+$0x5170] =	vst v1  }
0x37: {  	[tilespmem:s16+$0x5100] =	vst v1  }
0x38: {  	[tilespmem:s16+$0x5110] =	vst v1  }
.Ltmp2:
0x39: {  	[tilespmem:s16+$0x5120] =	vst v1;
	(pc) =	sbr.rel @p1 .LBB2_2-.Ltmp2, $4  }
0x3a: {  	[tilespmem:s16+$0x5130] =	vst v1  }
0x3b: {  	[tilespmem:s16+$0x5140] =	vst v1  }
0x3c: {  	[tilespmem:s16+$0x5150] =	vst v1  }
0x3d: {  	[tilespmem:s16+$0x5160] =	vst v1;
	s16 =	sshra.s32 s17, $0x2;
	s17 =	sadd.s32 $0x200, s17  }
0x3e: {  	[tilespmem:s16+$0x5170] =	vst v1  }
0x3f: {  	[tilespmem:s16+$0x5100] =	vst v1  }
0x40: {  	[tilespmem:s16+$0x5110] =	vst v1  }
0x41: {  	[tilespmem:s16+$0x5120] =	vst v1  }
0x42: {  	[tilespmem:s16+$0x5130] =	vst v1  }
0x43: {  	[tilespmem:s16+$0x5140] =	vst v1  }
0x44: {  	[tilespmem:s16+$0x5150] =	vst v1  }
0x45: {  	[tilespmem:s16+$0x5160] =	vst v1  }
0x46: {  	[spmem:s4] =	stream.linear.scatter [tilespmem:s8], [sflag:$0x3], $0xC80, $0x38;
	[tilespmem:$0x1D980] =	vst v63  }
0x47: {  	_ =	swait.ge [sflag:s7], $0xC80  }
0x48: {  	[sflag:s7] =	ssyncset.done $0x0  }
0x49: {  	s17 =	rddreg [dreg:$0x7];
	[sflag:s7] =	ssyncadd.s32 $0xFFFFF380  }
0x4a: {  	[spmem:s17] =	stream.linear.scatter [tilespmem:s8], [sflag:$0x3], $0xC80, $0x38;
	[tilespmem:$0x1D980] =	vst v63  }
0x4b: {  	_ =	swait.ge [sflag:s7], $0xC80  }
0x4c: {  	[sflag:s7] =	ssyncset.done $0x0  }
0x4d: {  	s18 =	rddreg [dreg:$0x8];
	[sflag:s7] =	ssyncadd.s32 $0xFFFFF380  }
0x4e: {  	[spmem:s18] =	stream.linear.scatter [tilespmem:s8], [sflag:$0x3], $0xC80, $0x38;
	[tilespmem:$0x1D980] =	vst v63  }
0x4f: {  	_ =	swait.ge [sflag:s7], $0xC80  }
0x50: {  	[sflag:s7] =	ssyncset.done $0x0  }
0x51: {  	s17 =	rddreg [dreg:$0x9];
	[sflag:s7] =	ssyncadd.s32 $0xFFFFF380  }
0x52: {  	[spmem:s17] =	stream.linear.scatter [tilespmem:s8], [sflag:$0x3], $0xC80, $0x38;
	[tilespmem:$0x1D980] =	vst v63  }
0x53: {  	_ =	swait.ge [sflag:s7], $0xC80  }
0x54: {  	[sflag:s7] =	ssyncset.done $0x0  }
0x55: {  	s18 =	rddreg [dreg:$0xa];
	[sflag:s7] =	ssyncadd.s32 $0xFFFFF380  }
0x56: {  	[spmem:s18] =	stream.linear.scatter [tilespmem:s8], [sflag:$0x3], $0xC80, $0x38;
	[tilespmem:$0x1D980] =	vst v63  }
0x57: {  	_ =	swait.ge [sflag:s7], $0xC80  }
0x58: {  	[sflag:s7] =	ssyncset.done $0x0  }
0x59: {  	s17 =	rddreg [dreg:$0xb];
	[sflag:s7] =	ssyncadd.s32 $0xFFFFF380  }
0x5a: {  	[spmem:s17] =	stream.linear.scatter [tilespmem:s8], [sflag:$0x3], $0xC80, $0x38;
	[tilespmem:$0x1D980] =	vst v63  }
0x5b: {  	_ =	swait.ge [sflag:s7], $0xC80  }
0x5c: {  	[sflag:s7] =	ssyncset.done $0x0  }
0x5d: {  	s18 =	rddreg [dreg:$0xc];
	[sflag:s7] =	ssyncadd.s32 $0xFFFFF380  }
0x5e: {  	[spmem:s18] =	stream.linear.scatter [tilespmem:s8], [sflag:$0x3], $0xC80, $0x38;
	[tilespmem:$0x1D980] =	vst v63  }
0x5f: {  	_ =	swait.ge [sflag:s7], $0xC80  }
0x60: {  	[sflag:s7] =	ssyncset.done $0x0  }
0x61: {  	s17 =	rddreg [dreg:$0xd];
	[sflag:s7] =	ssyncadd.s32 $0xFFFFF380  }
0x62: {  	[spmem:s17] =	stream.linear.scatter [tilespmem:s8], [sflag:$0x3], $0xC80, $0x38;
	[tilespmem:$0x1D980] =	vst v63  }
0x63: {  	_ =	swait.ge [sflag:s7], $0xC80  }
0x64: {  	[sflag:s7] =	ssyncset.done $0x0  }
0x65: {  	s18 =	rddreg [dreg:$0xe];
	[sflag:s7] =	ssyncadd.s32 $0xFFFFF380  }
0x66: {  	[spmem:s18] =	stream.linear.scatter [tilespmem:s8], [sflag:$0x3], $0xC80, $0x38;
	[tilespmem:$0x1D980] =	vst v63  }
0x67: {  	_ =	swait.ge [sflag:s7], $0xC80  }
0x68: {  	[sflag:s7] =	ssyncset.done $0x0  }
0x69: {  	s17 =	rddreg [dreg:$0xf];
	[sflag:s7] =	ssyncadd.s32 $0xFFFFF380  }
0x6a: {  	[spmem:s17] =	stream.linear.scatter [tilespmem:s8], [sflag:$0x3], $0xC80, $0x38;
	[tilespmem:$0x1D980] =	vst v63  }
0x6b: {  	_ =	swait.ge [sflag:s7], $0xC80  }
0x6c: {  	[sflag:s7] =	ssyncset.done $0x0  }
0x6d: {  	s18 =	rddreg [dreg:$0x10];
	[sflag:s7] =	ssyncadd.s32 $0xFFFFF380  }
0x6e: {  	[spmem:s18] =	stream.linear.scatter [tilespmem:s8], [sflag:$0x3], $0xC80, $0x38;
	[tilespmem:$0x1D980] =	vst v63  }
0x6f: {  	_ =	swait.ge [sflag:s7], $0xC80  }
0x70: {  	[sflag:s7] =	ssyncset.done $0x0  }
0x71: {  	s17 =	rddreg [dreg:$0x11];
	[sflag:s7] =	ssyncadd.s32 $0xFFFFF380  }
0x72: {  	[spmem:s17] =	stream.linear.scatter [tilespmem:s8], [sflag:$0x3], $0xC80, $0x38;
	[tilespmem:$0x1D980] =	vst v63  }
0x73: {  	_ =	swait.ge [sflag:s7], $0xC80  }
0x74: {  	[sflag:s7] =	ssyncset.done $0x0  }
0x75: {  	s18 =	rddreg [dreg:$0x12];
	[sflag:s7] =	ssyncadd.s32 $0xFFFFF380  }
0x76: {  	[spmem:s18] =	stream.linear.scatter [tilespmem:s8], [sflag:$0x3], $0xC80, $0x38;
	[tilespmem:$0x1D980] =	vst v63  }
0x77: {  	_ =	swait.ge [sflag:s7], $0xC80  }
0x78: {  	[sflag:s7] =	ssyncset.done $0x0  }
0x79: {  	[sflag:s7] =	ssyncadd.s32 $0xFFFFF380  }
0x7a: {  	[spmem:s21] =	stream.linear.scatter [tilespmem:s8], [sflag:$0x3], $0xC80, $0x38;
	[tilespmem:$0x1D980] =	vst v63  }
0x7b: {  	_ =	swait.ge [sflag:s7], $0xC80  }
0x7c: {  	[sflag:s7] =	ssyncset.done $0x0  }
0x7d: {  	[sflag:s7] =	ssyncadd.s32 $0xFFFFF380  }
0x7e: {  	[spmem:s22] =	stream.linear.scatter [tilespmem:s8], [sflag:$0x3], $0xC80, $0x38;
	[tilespmem:$0x1D980] =	vst v63  }
0x7f: {  	_ =	swait.ge [sflag:s7], $0xC80  }
0x80: {  	[sflag:s7] =	ssyncset.done $0x0  }
0x81: {  	[sflag:s7] =	ssyncadd.s32 $0xFFFFF380  }
0x82: {  	[spmem:s26] =	stream.linear.scatter [tilespmem:s8], [sflag:$0x3], $0xC80, $0x38;
	[tilespmem:$0x1D980] =	vst v63  }
0x83: {  	_ =	swait.ge [sflag:s7], $0xC80  }
0x84: {  	[sflag:s7] =	ssyncset.done $0x0  }
0x85: {  	[sflag:s7] =	ssyncadd.s32 $0xFFFFF380  }
0x86: {  	[spmem:s28] =	stream.linear.scatter [tilespmem:s8], [sflag:$0x3], $0xC80, $0x38;
	[tilespmem:$0x1D980] =	vst v63  }
0x87: {  	_ =	swait.ge [sflag:s7], $0xC80  }
0x88: {  	[sflag:s7] =	ssyncset.done $0x0  }
0x89: {  	[sflag:s7] =	ssyncadd.s32 $0xFFFFF380  }
0x8a: {  	[spmem:s29] =	stream.linear.scatter [tilespmem:s8], [sflag:$0x3], $0xC80, $0x38;
	[tilespmem:$0x1D980] =	vst v63  }
0x8b: {  	_ =	swait.ge [sflag:s7], $0xC80  }
0x8c: {  	[sflag:s7] =	ssyncset.done $0x0  }
0x8d: {  	[sflag:s7] =	ssyncadd.s32 $0xFFFFF380  }
0x8e: {  	[spmem:s30] =	stream.linear.scatter [tilespmem:s8], [sflag:$0x3], $0xC80, $0x38;
	[tilespmem:$0x1D980] =	vst v63  }
0x8f: {  	_ =	swait.ge [sflag:s7], $0xC80  }
0x90: {  	[sflag:s7] =	ssyncset.done $0x0  }
0x91: {  	[sflag:s7] =	ssyncadd.s32 $0xFFFFF380  }
0x92: {  	[spmem:s31] =	stream.linear.scatter [tilespmem:s8], [sflag:$0x3], $0xC80, $0x38;
	[tilespmem:$0x1D980] =	vst v63  }
0x93: {  	_ =	swait.ge [sflag:s7], $0xC80  }
0x94: {  	[sflag:s7] =	ssyncset.done $0x0  }
0x95: {  	[sflag:s7] =	ssyncadd.s32 $0xFFFFF380  }
0x96: {  	[spmem:s2] =	stream.linear.scatter [tilespmem:s8], [sflag:$0x3], $0xC80, $0x38;
	[tilespmem:$0x1D980] =	vst v63  }
0x97: {  	_ =	swait.ge [sflag:s7], $0xC80  }
0x98: {  	[sflag:s7] =	ssyncset.done $0x0  }
0x99: {  	[sflag:s7] =	ssyncadd.s32 $0xFFFFF380  }
0x9a: {  	[spmem:s0] =	stream.linear.scatter [tilespmem:s8], [sflag:$0x3], $0xC80, $0x38;
	[tilespmem:$0x1D980] =	vst v63  }
0x9b: {  	_ =	swait.ge [sflag:s7], $0xC80  }
0x9c: {  	[sflag:s7] =	ssyncset.done $0x0  }
0x9d: {  	[sflag:s7] =	ssyncadd.s32 $0xFFFFF380  }
0x9e: {  	[spmem:s3] =	stream.linear.scatter [tilespmem:s8], [sflag:$0x3], $0xC80, $0x38;
	[tilespmem:$0x1D980] =	vst v63  }
0x9f: {  	_ =	swait.ge [sflag:s7], $0xC80  }
0xa0: {  	[sflag:s7] =	ssyncset.done $0x0  }
0xa1: {  	[sflag:s7] =	ssyncadd.s32 $0xFFFFF380  }
0xa2: {  	[spmem:s5] =	stream.linear.scatter [tilespmem:s8], [sflag:$0x3], $0xC80, $0x38;
	[tilespmem:$0x1D980] =	vst v63  }
0xa3: {  	_ =	swait.ge [sflag:s7], $0xC80  }
0xa4: {  	[sflag:s7] =	ssyncset.done $0x0  }
0xa5: {  	[sflag:s7] =	ssyncadd.s32 $0xFFFFF380  }
0xa6: {  	[spmem:s6] =	stream.linear.scatter [tilespmem:s8], [sflag:$0x3], $0xC80, $0x38;
	[tilespmem:$0x1D980] =	vst v63  }
0xa7: {  	_ =	swait.ge [sflag:s7], $0xC80  }
0xa8: {  	[sflag:s7] =	ssyncset.done $0x0  }
0xa9: {  	[sflag:s7] =	ssyncadd.s32 $0xFFFFF380  }
0xaa: {  	v6 =	vld [tilespmem:$0x0]  }
0xab: {  	v7 =	vld [tilespmem:$0x10]  }
0xac: {  	v8 =	vld [tilespmem:$0x20]  }
0xad: {  	v9 =	vld [tilespmem:$0x30];
	_ =	sdelay $0x1  }
0xae: {  	v6 =	vand.u32 $0x3FFF, v6  }
0xaf: {  	[tilespmem:$0x2880] =	vst v6;
	v6 =	vand.u32 $0x3FFF, v7  }
0xb0: {  	[tilespmem:$0x2890] =	vst v6;
	v6 =	vand.u32 $0x3FFF, v8  }
0xb1: {  	[tilespmem:$0x28A0] =	vst v6;
	v6 =	vand.u32 $0x3FFF, v9  }
0xb2: {  	[tilespmem:$0x28B0] =	vst v6;
	v6 =	vld [tilespmem:$0x40]  }
0xb3: {  	[tilespmem:$0x2780] =	vst v0  }
0xb4: {  	[tilespmem:$0x2790] =	vst v2  }
0xb5: {  	[tilespmem:$0x27A0] =	vst v3  }
0xb6: {  	[tilespmem:$0x27B0] =	vst v4  }
0xb7: {  	[tilespmem:$0x27C0] =	vst v5;
	v6 =	vand.u32 $0x3FFF, v6  }
0xb8: {  	[tilespmem:$0x28C0] =	vst v6  }
0xb9: {  	s16 =	simm.s32 $0xE0;
	s17 =	simm.s32 $0x70;
	[bflag:$0x0] =	sbarrier.arrive $0xFFFF  }
0xba: {  	[tilespmem:s8], [sflag:$0x1] =	stream.indirect.gather [hbm4b:s1+s9], $0x80, s10, s9, $0xb8;
	[tilespmem:$0x1D980] =	vst v63  }
.LBB2_4:
0xbb: {  	_ =	swait.ge [sflag:s11], $0x2800  }
0xbc: {  	[sflag:s11] =	ssyncset.done $0x0  }
0xbd: {  	[sflag:s11] =	ssyncadd.s32 $0xFFFFD800  }
0xbe: {  	v6 =	vld [tilespmem:s17+$0xFFFFFFE0];
	_ =	sdelay $0x1  }
0xbf: {  	s18 =	sadd.s32 $0xFFFFFF70, s16  }
0xc0: {  	v7 =	vor.u32 s18, v0  }
0xc1: {  	v7 =	vand.u32 $0x1FFF, v7  }
0xc2: {  	[tilespmem:$0x2800] =	vst v7;
	v6 =	vand.u32 $0x3FFF, v6  }
0xc3: {  	[tilespmem:$0x2900] =	vst v6  }
0xc4: {  	v6 =	vld [tilespmem:s17+$0xFFFFFFF0];
	_ =	sdelay $0x1  }
0xc5: {  	s18 =	sadd.s32 $0xFFFFFF80, s16  }
0xc6: {  	v7 =	vor.u32 s18, v0  }
0xc7: {  	v7 =	vand.u32 $0x1FEF, v7  }
0xc8: {  	[tilespmem:$0x2810] =	vst v7;
	v6 =	vand.u32 $0x3FFF, v6  }
0xc9: {  	[tilespmem:$0x2910] =	vst v6  }
0xca: {  	v6 =	vld [tilespmem:s17+$0x0];
	_ =	sdelay $0x1  }
0xcb: {  	s18 =	sadd.s32 $0xFFFFFF90, s16  }
0xcc: {  	v7 =	vor.u32 s18, v0  }
0xcd: {  	v7 =	vand.u32 $0x1FFF, v7  }
0xce: {  	[tilespmem:$0x2820] =	vst v7;
	v6 =	vand.u32 $0x3FFF, v6  }
0xcf: {  	[tilespmem:$0x2920] =	vst v6  }
0xd0: {  	v6 =	vld [tilespmem:s17+$0x10];
	_ =	sdelay $0x1  }
0xd1: {  	s18 =	sadd.s32 $0xFFFFFFA0, s16  }
0xd2: {  	v7 =	vor.u32 s18, v0  }
0xd3: {  	v7 =	vand.u32 $0x1FEF, v7  }
0xd4: {  	[tilespmem:$0x2830] =	vst v7;
	v6 =	vand.u32 $0x3FFF, v6  }
0xd5: {  	[tilespmem:$0x2930] =	vst v6  }
0xd6: {  	v6 =	vld [tilespmem:s17+$0x20];
	_ =	sdelay $0x1  }
0xd7: {  	s18 =	sadd.s32 $0xFFFFFFB0, s16  }
0xd8: {  	v7 =	vor.u32 s18, v0  }
0xd9: {  	v7 =	vand.u32 $0x1FFF, v7  }
0xda: {  	p1 =	seq.s32 s16, $0x27A0;
	[tilespmem:$0x2840] =	vst v7;
	v6 =	vand.u32 $0x3FFF, v6  }
.Ltmp3:
0xdb: {  	[tilespmem:$0x2940] =	vst v6;
	(pc) =	sbr.rel @p1 .LBB2_6-.Ltmp3, $4  }
0xdc: {  	[tilespmem:s13], [sflag:$0x2] =	stream.indirect.gather [hbm4b:s1+s9], $0x80, s12, s9, $0xb8;
	[tilespmem:$0x1D980] =	vst v63  }
0xdd: {  	_ =	swait.ge [sflag:s14], $0x2800  }
0xde: {  	[sflag:s14] =	ssyncset.done $0x0  }
0xdf: {  	[sflag:s14] =	ssyncadd.s32 $0xFFFFD800  }
0xe0: {  	v6 =	vld [tilespmem:s17+$0x30];
	_ =	sdelay $0x1  }
0xe1: {  	s18 =	sadd.s32 $0xFFFFFFC0, s16  }
0xe2: {  	v7 =	vor.u32 s18, v0  }
0xe3: {  	v7 =	vand.u32 $0x1FEF, v7  }
0xe4: {  	[tilespmem:$0x2780] =	vst v7;
	v6 =	vand.u32 $0x3FFF, v6  }
0xe5: {  	[tilespmem:$0x2880] =	vst v6  }
0xe6: {  	v6 =	vld [tilespmem:s17+$0x40];
	_ =	sdelay $0x1  }
0xe7: {  	s18 =	sadd.s32 $0xFFFFFFD0, s16  }
0xe8: {  	v7 =	vor.u32 s18, v0  }
0xe9: {  	v7 =	vand.u32 $0x1FFF, v7  }
0xea: {  	[tilespmem:$0x2790] =	vst v7;
	v6 =	vand.u32 $0x3FFF, v6  }
0xeb: {  	[tilespmem:$0x2890] =	vst v6  }
0xec: {  	v6 =	vld [tilespmem:s17+$0x50];
	_ =	sdelay $0x1  }
0xed: {  	s18 =	sadd.s32 $0xFFFFFFE0, s16  }
0xee: {  	v7 =	vor.u32 s18, v0  }
0xef: {  	v7 =	vand.u32 $0x1FEF, v7  }
0xf0: {  	[tilespmem:$0x27A0] =	vst v7;
	v6 =	vand.u32 $0x3FFF, v6  }
0xf1: {  	[tilespmem:$0x28A0] =	vst v6  }
0xf2: {  	v6 =	vld [tilespmem:s17+$0x60];
	_ =	sdelay $0x1  }
0xf3: {  	s18 =	sadd.s32 $0xFFFFFFF0, s16  }
0xf4: {  	v7 =	vor.u32 s18, v0  }
0xf5: {  	v7 =	vand.u32 $0x1FFF, v7  }
0xf6: {  	[tilespmem:$0x27B0] =	vst v7;
	v6 =	vand.u32 $0x3FFF, v6  }
0xf7: {  	[tilespmem:$0x28B0] =	vst v6  }
0xf8: {  	v6 =	vld [tilespmem:s17+$0x70];
	_ =	sdelay $0x2  }
.Ltmp4:
0xf9: {  	v7 =	vor.u32 s16, v0;
	(pc) =	sbr.rel .LBB2_4-.Ltmp4, $4  }
0xfa: {  	v7 =	vand.u32 $0x1FEF, v7  }
0xfb: {  	[tilespmem:$0x27C0] =	vst v7;
	v6 =	vand.u32 $0x3FFF, v6  }
0xfc: {  	s16 =	sadd.s32 $0xA0, s16;
	s17 =	sadd.s32 $0xA0, s17;
	[tilespmem:$0x28C0] =	vst v6  }
0xfd: {  	[tilespmem:s8], [sflag:$0x1] =	stream.indirect.gather [hbm4b:s1+s9], $0x80, s10, s9, $0xb8;
	[tilespmem:$0x1D980] =	vst v63  }
.LBB2_7:
0xfe: {  	_ =	sfence.sel $0x180000  }
0xff: {  	[bflag:$0x0] =	sbarrier.arrive $0xFFFF  }
0x100: {  	_ =	strace $0x90000047  }
0x101: {  	s0 =	stileid.u32;
	[bflag:$0x2] =	sbarrier.arrive $0xFFFF  }
0x102: {  	p0 =	sne.s32 s0, $0x0;
	s0 =	rddreg [dreg:$0x4]  }
0x103: {  	s0 =	sadd.s32 @!p0 $0x100000, s0  }
0x104: {  	[sflag:s0] =	ssyncadd.tile.s32 @!p0 $0x1;
	_ =	shalt  }
.Lfunc_end2:
_tile_overlayer_lowered:
.L_overlay_start_2:
0x105: {  	(tag) =	ssettag $0x2  }
0x106: {  	s0 =	rddreg [dreg:$0x0];
	s2 =	stileid.u32  }
0x107: {  	s1 =	rddreg [dreg:$0x1];
	p0 =	sne.s32 s2, $0x0  }
0x108: {  	s3 =	rddreg [dreg:$0x2];
	[bflag:$0x3] =	sbarrier.arrive $0xFFFF;
	s2 =	simm.s32 @!p0 $0x1C03  }
0x109: {  	[timem:s3], [sflag:s2] =	dma.local @!p0 [hbm:s0], s1  }
0x10a: {  	s0 =	simm.s32 @!p0 $0x3  }
0x10b: {  	_ =	swait.ge @!p0 [sflag:s0], s1  }
0x10c: {  	s1 =	ssub.s32 @!p0 $0x0, s1;
	[sflag:s0] =	ssyncset.done @!p0 $0x0  }
0x10d: {  	[sflag:s0] =	ssyncadd.s32 @!p0 s1  }
0x10e: {  	[bflag:$0x3] =	sbarrier.arrive $0xFFFF  }
0x10f: {  	_ =	shalt  }

</sc_bundles>
